<compile_context>
chip_gen: v7x
topology: tpu7x:2x2x1
jax: 0.10.2.dev20260603
libtpu: 0.0.44.dev20260713+nightly
codegen_flags: <defaults>
</compile_context>

<pallas_src>
import functools

import jax
import jax.numpy as jnp
from jax import lax
from jax.experimental import pallas as pl
from jax.experimental.pallas import tpu as pltpu
from jax.experimental.pallas import tpu_sc as plsc

B = 1024
KB = 7168
LANES = 128
BIG = 3.0e38

K_TOTAL = 100000
K_TC = 11 * KB
NW = 32
L = 16
NQ = 8
K_SC_REAL = K_TOTAL - K_TC
CH = -(-K_SC_REAL // (NW * L)) * L


def _sc_body(tx_hbm, ty_hbm, qx_hbm, qy_hbm, out_hbm, av, bv, cv, qxv, qyv,
             ov, tt):
    cid = lax.axis_index("c")
    sid = lax.axis_index("s")
    wid = sid * 2 + cid
    base = jnp.minimum(wid * CH, K_SC_REAL - CH)
    pltpu.sync_copy(tx_hbm.at[pl.ds(base, CH)], av)
    pltpu.sync_copy(ty_hbm.at[pl.ds(base, CH)], bv)
    pltpu.sync_copy(qx_hbm, qxv)
    pltpu.sync_copy(qy_hbm, qyv)

    def pre(i, carry):
        sl = pl.ds(i * L, L)
        tx = av[sl]
        ty = bv[sl]
        cv[sl] = tx * tx + ty * ty
        av[sl] = -2.0 * tx
        bv[sl] = -2.0 * ty
        return carry

    lax.fori_loop(0, CH // L, pre, 0, unroll=2)

    def qloop(qg, carry):
        qb = qg * L
        qxvec = qxv[pl.ds(qb, L)]
        qyvec = qyv[pl.ds(qb, L)]
        for sub in range(L // NQ):
            qxs = [qxvec[sub * NQ + u] for u in range(NQ)]
            qys = [qyvec[sub * NQ + u] for u in range(NQ)]

            def inner(j, accs):
                sl = pl.ds(j * L, L)
                a = av[sl]
                b = bv[sl]
                c = cv[sl]
                return tuple(
                    jnp.minimum(accs[u], c + qxs[u] * a + qys[u] * b)
                    for u in range(NQ))

            init = tuple(jnp.full((L,), BIG, jnp.float32) for _ in range(NQ))
            accs = lax.fori_loop(0, CH // L, inner, init, unroll=2)
            for u in range(NQ):
                tt[pl.ds((sub * NQ + u) * L, L)] = accs[u]
        rows = lax.iota(jnp.int32, L) * L
        mv = plsc.load_gather(tt, [rows])
        for j in range(1, L):
            mv = jnp.minimum(mv, plsc.load_gather(tt, [rows + j]))
        ov[pl.ds(qb, L)] = mv
        return carry

    lax.fori_loop(0, B // L, qloop, 0)
    pltpu.sync_copy(ov, out_hbm.at[wid])


def _sc_partial_min(tx_sc, ty_sc, qx, qy):
    mesh = plsc.VectorSubcoreMesh(
        core_axis_name="c", subcore_axis_name="s", num_cores=2,
        num_subcores=16)
    return pl.kernel(
        _sc_body,
        out_type=jax.ShapeDtypeStruct((NW, B), jnp.float32),
        mesh=mesh,
        compiler_params=pltpu.CompilerParams(needs_layout_passes=False),
        scratch_types=[
            pltpu.VMEM((CH,), jnp.float32),
            pltpu.VMEM((CH,), jnp.float32),
            pltpu.VMEM((CH,), jnp.float32),
            pltpu.VMEM((B,), jnp.float32),
            pltpu.VMEM((B,), jnp.float32),
            pltpu.VMEM((B,), jnp.float32),
            pltpu.VMEM((L * L,), jnp.float32),
        ],
    )(tx_sc, ty_sc, qx, qy)


def _tc_scan_body(cc_ref, tx_ref, ty_ref, out_ref, acc_ref, *, nsteps):
    i = pl.program_id(0)
    qx = cc_ref[:, 0:1]
    qy = cc_ref[:, 1:2]
    ax = -2.0 * qx
    ay = -2.0 * qy

    tx = tx_ref[:].reshape(1, KB)
    ty = ty_ref[:].reshape(1, KB)
    c = tx * tx + ty * ty
    ones = jnp.ones_like(qx)
    zeros8 = jnp.zeros((B, 5), jnp.float32)
    amat = jnp.concatenate([ax, ay, ones, zeros8], axis=1)
    tmat = jnp.concatenate(
        [tx, ty, c, jnp.zeros((5, KB), jnp.float32)], axis=0)
    p = jnp.dot(amat, tmat, preferred_element_type=jnp.float32,
                precision=lax.Precision.DEFAULT)

    m = p[:, 0:LANES]
    for g in range(1, KB // LANES):
        m = jnp.minimum(m, p[:, g * LANES:(g + 1) * LANES])

    @pl.when(i == 0)
    def _():
        acc_ref[...] = m

    @pl.when(i > 0)
    def _():
        acc_ref[...] = jnp.minimum(acc_ref[...], m)

    @pl.when(i == nsteps - 1)
    def _():
        out_ref[...] = jnp.min(acc_ref[...], axis=1, keepdims=True)


def _merge_body(tcm_ref, scp_ref, cc_ref, sf_ref, w1_ref, b1_ref, w2_ref,
                b2_ref, out_ref):
    qx = cc_ref[:, 0:1]
    qy = cc_ref[:, 1:2]
    q2 = qx * qx + qy * qy
    scm = jnp.min(jnp.transpose(scp_ref[...]), axis=1, keepdims=True)
    d2 = jnp.minimum(tcm_ref[...], scm) + q2
    dist = jnp.sqrt(jnp.maximum(d2, 1e-12))
    h = jnp.dot(sf_ref[...], w1_ref[0:128, :],
                preferred_element_type=jnp.float32)
    h = h + dist * w1_ref[128:129, :] + b1_ref[...]
    h = jnp.maximum(h, 0.0)
    z = jnp.dot(h, w2_ref[...], preferred_element_type=jnp.float32)
    out_ref[...] = jax.nn.sigmoid(z + b2_ref[...])


def kernel(spatial_features, current_coords, training_coords, W1, b1, W2, b2):
    scp = _sc_partial_min(training_coords[K_TC:, 0],
                          training_coords[K_TC:, 1],
                          current_coords[:, 0], current_coords[:, 1])

    tx = training_coords[:K_TC, 0]
    ty = training_coords[:K_TC, 1]

    nsteps = K_TC // KB
    tcm = pl.pallas_call(
        functools.partial(_tc_scan_body, nsteps=nsteps),
        grid=(nsteps,),
        in_specs=[
            pl.BlockSpec((B, 2), lambda i: (0, 0)),
            pl.BlockSpec((KB,), lambda i: (i,)),
            pl.BlockSpec((KB,), lambda i: (i,)),
        ],
        out_specs=pl.BlockSpec((B, 1), lambda i: (0, 0)),
        out_shape=jax.ShapeDtypeStruct((B, 1), jnp.float32),
        scratch_shapes=[pltpu.VMEM((B, LANES), jnp.float32)],
    )(current_coords, tx, ty)

    out = pl.pallas_call(
        _merge_body,
        in_specs=[
            pl.BlockSpec((B, 1), lambda: (0, 0)),
            pl.BlockSpec((NW, B), lambda: (0, 0)),
            pl.BlockSpec((B, 2), lambda: (0, 0)),
            pl.BlockSpec((B, 128), lambda: (0, 0)),
            pl.BlockSpec((129, 64), lambda: (0, 0)),
            pl.BlockSpec((1, 64), lambda: (0, 0)),
            pl.BlockSpec((64, 1), lambda: (0, 0)),
            pl.BlockSpec((1, 1), lambda: (0, 0)),
        ],
        out_specs=pl.BlockSpec((B, 1), lambda: (0, 0)),
        out_shape=jax.ShapeDtypeStruct((B, 1), jnp.float32),
    )(tcm, scp, current_coords, spatial_features,
      W1, b1.reshape(1, 64), W2, b2.reshape(1, 1))
    return out

# --- scband reference (transcript-rebuilt; emitter-appended) ---
"""Pipeline reference for scband-spatial-gating-network-50629074486093 (READ-ONLY COPY).

The authoritative reference and input builder live on the scoring server;
editing this copy changes nothing except your own understanding.
"""

import jax, jax.numpy as jnp
import numpy as np

K_NN = 1  # init kwarg k

def setup_inputs(seed: int = 0) -> dict:
    key = jax.random.key(seed)
    ks = jax.random.split(key, 8)
    B, D, K = 1024, 128, 100000
    spatial_features = jax.random.normal(ks[0], (B, D), dtype=jnp.float32)
    current_coords = jax.random.normal(ks[1], (B, 2), dtype=jnp.float32)
    # buffer loaded via load_training_coords(): the reference coordinate bank
    training_coords = jax.random.normal(ks[2], (K, 2), dtype=jnp.float32)
    # gate_mlp params: Linear(D+1, 64) -> ReLU -> Linear(64, 1) -> Sigmoid
    W1 = jax.random.normal(ks[3], (D + 1, 64), dtype=jnp.float32) * (1.0 / np.sqrt(D + 1))
    b1 = jnp.zeros((64,), dtype=jnp.float32)
    W2 = jax.random.normal(ks[4], (64, 1), dtype=jnp.float32) * (1.0 / 8.0)
    b2 = jnp.zeros((1,), dtype=jnp.float32)
    return {"spatial_features": spatial_features, "current_coords": current_coords,
            "training_coords": training_coords, "W1": W1, "b1": b1, "W2": W2, "b2": b2}

def _cdist(a, b):
    # euclidean pairwise distances, same as torch.cdist(a, b)
    a2 = jnp.sum(a * a, axis=1, keepdims=True)
    b2 = jnp.sum(b * b, axis=1)[None, :]
    d2 = a2 + b2 - 2.0 * (a @ b.T)
    return jnp.sqrt(jnp.maximum(d2, 1e-12))

def reference(spatial_features, current_coords, training_coords, W1, b1, W2, b2):
    dists = _cdist(current_coords, training_coords)            # (B, K)
    neg_topk, _ = jax.lax.top_k(-dists, K_NN)                  # smallest-k distances
    topk_dists = -neg_topk
    avg_dist = jnp.mean(topk_dists, axis=1, keepdims=True)     # (B, 1)
    combined = jnp.concatenate([spatial_features, avg_dist], axis=1)
    h = jax.nn.relu(combined @ W1 + b1)
    beta = jax.nn.sigmoid(h @ W2 + b2)
    return beta

if __name__ == "__main__":
    import jax
    _d = setup_inputs()
    print(jax.jit(kernel)(*tuple(_d.values())))

</pallas_src>

<mosaic_0001>
#map = affine_map<(d0, d1) -> (0)>
#map1 = affine_map<(d0, d1) -> (0, 0)>
module attributes {stable_mosaic.version = 14 : i64} {
  func.func @_sc_body(%arg0: i32, %arg1: i32, %arg2: memref<21152xf32, #tpu.memory_space<hbm>>, %arg3: memref<21152xf32, #tpu.memory_space<hbm>>, %arg4: memref<1024xf32, #tpu.memory_space<hbm>>, %arg5: memref<1024xf32, #tpu.memory_space<hbm>>, %arg6: memref<32x1024xf32, #tpu.memory_space<hbm>>, %arg7: memref<672xf32, #tpu.memory_space<vmem>>, %arg8: memref<672xf32, #tpu.memory_space<vmem>>, %arg9: memref<672xf32, #tpu.memory_space<vmem>>, %arg10: memref<1024xf32, #tpu.memory_space<vmem>>, %arg11: memref<1024xf32, #tpu.memory_space<vmem>>, %arg12: memref<1024xf32, #tpu.memory_space<vmem>>, %arg13: memref<256xf32, #tpu.memory_space<vmem>>) attributes {dimension_semantics = [#tpu.dimension_semantics<core_parallel>, #tpu.dimension_semantics<subcore_parallel>], iteration_bounds = array<i64: 2, 16>, scalar_prefetch = 0 : i64, scratch_operands = 7 : i64, tpu.core_type = #tpu.core_type<sc_vector_subcore>, window_params = [{transform_indices = #map}, {transform_indices = #map}, {transform_indices = #map}, {transform_indices = #map}, {transform_indices = #map1}]} {
    %mul3A = arith.constant 2 : i32
    %mul3A_0 = arith.muli %arg1, %mul3A : i32
    %add3A = arith.addi %mul3A_0, %arg0 : i32
    %mul3A_1 = arith.constant 672 : i32
    %mul3A_2 = arith.muli %add3A, %mul3A_1 : i32
    %min3A = arith.constant 20480 : i32
    %min3A_3 = arith.minsi %mul3A_2, %min3A : i32
    "tpu.region"() ({
      %run_scoped3A = tpu.sem_alloc : memref<!tpu.dma_semaphore, #tpu.memory_space<semaphore_mem>>
      %dma_start3A = tpu.memref_slice %arg2[%min3A_3] : memref<21152xf32, #tpu.memory_space<hbm>> -> memref<672xf32, #tpu.memory_space<hbm>>
      %dma_start3A_15 = tpu.memref_slice %arg2[%min3A_3] : memref<21152xf32, #tpu.memory_space<hbm>> -> memref<672xf32, #tpu.memory_space<hbm>>
      tpu.enqueue_dma source(%dma_start3A_15 : memref<672xf32, #tpu.memory_space<hbm>>) target(%arg7 : memref<672xf32, #tpu.memory_space<vmem>>) target_semaphore(%run_scoped3A : memref<!tpu.dma_semaphore, #tpu.memory_space<semaphore_mem>>)
      %dma_wait3A = tpu.memref_slice %arg2[%min3A_3] : memref<21152xf32, #tpu.memory_space<hbm>> -> memref<672xf32, #tpu.memory_space<hbm>>
      %dma_wait3A_16 = tpu.memref_slice %arg2[%min3A_3] : memref<21152xf32, #tpu.memory_space<hbm>> -> memref<672xf32, #tpu.memory_space<hbm>>
      tpu.wait_dma2 semaphore(%run_scoped3A : memref<!tpu.dma_semaphore, #tpu.memory_space<semaphore_mem>>) src(%dma_wait3A_16 : memref<672xf32, #tpu.memory_space<hbm>>) dst(%arg7 : memref<672xf32, #tpu.memory_space<vmem>>)
      tpu.yield
    }) : () -> ()
    "tpu.region"() ({
      %run_scoped3A = tpu.sem_alloc : memref<!tpu.dma_semaphore, #tpu.memory_space<semaphore_mem>>
      %dma_start3A = tpu.memref_slice %arg3[%min3A_3] : memref<21152xf32, #tpu.memory_space<hbm>> -> memref<672xf32, #tpu.memory_space<hbm>>
      %dma_start3A_15 = tpu.memref_slice %arg3[%min3A_3] : memref<21152xf32, #tpu.memory_space<hbm>> -> memref<672xf32, #tpu.memory_space<hbm>>
      tpu.enqueue_dma source(%dma_start3A_15 : memref<672xf32, #tpu.memory_space<hbm>>) target(%arg8 : memref<672xf32, #tpu.memory_space<vmem>>) target_semaphore(%run_scoped3A : memref<!tpu.dma_semaphore, #tpu.memory_space<semaphore_mem>>)
      %dma_wait3A = tpu.memref_slice %arg3[%min3A_3] : memref<21152xf32, #tpu.memory_space<hbm>> -> memref<672xf32, #tpu.memory_space<hbm>>
      %dma_wait3A_16 = tpu.memref_slice %arg3[%min3A_3] : memref<21152xf32, #tpu.memory_space<hbm>> -> memref<672xf32, #tpu.memory_space<hbm>>
      tpu.wait_dma2 semaphore(%run_scoped3A : memref<!tpu.dma_semaphore, #tpu.memory_space<semaphore_mem>>) src(%dma_wait3A_16 : memref<672xf32, #tpu.memory_space<hbm>>) dst(%arg8 : memref<672xf32, #tpu.memory_space<vmem>>)
      tpu.yield
    }) : () -> ()
    "tpu.region"() ({
      %run_scoped3A = tpu.sem_alloc : memref<!tpu.dma_semaphore, #tpu.memory_space<semaphore_mem>>
      tpu.enqueue_dma source(%arg4 : memref<1024xf32, #tpu.memory_space<hbm>>) target(%arg10 : memref<1024xf32, #tpu.memory_space<vmem>>) target_semaphore(%run_scoped3A : memref<!tpu.dma_semaphore, #tpu.memory_space<semaphore_mem>>)
      tpu.wait_dma2 semaphore(%run_scoped3A : memref<!tpu.dma_semaphore, #tpu.memory_space<semaphore_mem>>) src(%arg4 : memref<1024xf32, #tpu.memory_space<hbm>>) dst(%arg10 : memref<1024xf32, #tpu.memory_space<vmem>>)
      tpu.yield
    }) : () -> ()
    "tpu.region"() ({
      %run_scoped3A = tpu.sem_alloc : memref<!tpu.dma_semaphore, #tpu.memory_space<semaphore_mem>>
      tpu.enqueue_dma source(%arg5 : memref<1024xf32, #tpu.memory_space<hbm>>) target(%arg11 : memref<1024xf32, #tpu.memory_space<vmem>>) target_semaphore(%run_scoped3A : memref<!tpu.dma_semaphore, #tpu.memory_space<semaphore_mem>>)
      tpu.wait_dma2 semaphore(%run_scoped3A : memref<!tpu.dma_semaphore, #tpu.memory_space<semaphore_mem>>) src(%arg5 : memref<1024xf32, #tpu.memory_space<hbm>>) dst(%arg11 : memref<1024xf32, #tpu.memory_space<vmem>>)
      tpu.yield
    }) : () -> ()
    %scan3A = arith.constant 0 : i32
    %scan3A_4 = arith.constant 0 : i32
    %scan3A_5 = arith.constant 42 : i32
    %scan3A_6 = arith.addi %scan3A_4, %scan3A_5 : i32
    %scan3A_7 = arith.constant 2 : i32
    scf.for %scan3A_15 = %scan3A_4 to %scan3A_6 step %scan3A_7  : i32 {
      %mul3A_16 = arith.constant 16 : i32
      %mul3A_17 = arith.muli %scan3A_15, %mul3A_16 : i32
      %get3A = arith.index_cast %mul3A_17 : i32 to index
      %get3A_18 = tpu.vector_load %arg7[%get3A] {strides = array<i32>} : memref<672xf32, #tpu.memory_space<vmem>>, vector<16xf32>,
      %get3A_19 = arith.index_cast %mul3A_17 : i32 to index
      %get3A_20 = tpu.vector_load %arg8[%get3A_19] {strides = array<i32>} : memref<672xf32, #tpu.memory_space<vmem>>, vector<16xf32>,
      %mul3A_21 = arith.mulf %get3A_18, %get3A_18 : vector<16xf32>
      %mul3A_22 = arith.mulf %get3A_20, %get3A_20 : vector<16xf32>
      %add3A_23 = arith.addf %mul3A_21, %mul3A_22 : vector<16xf32>
      %swap3A = arith.index_cast %mul3A_17 : i32 to index
      %swap3A_24 = tpu.vector_load %arg9[%swap3A] {strides = array<i32>} : memref<672xf32, #tpu.memory_space<vmem>>, vector<16xf32>,
      tpu.vector_store %arg9[%swap3A], %add3A_23 {strides = array<i32>} : memref<672xf32, #tpu.memory_space<vmem>>, vector<16xf32>,
      %mul3A_25 = arith.constant -2.000000e+00 : f32
      %mul3A_26 = vector.broadcast %mul3A_25 : f32 to vector<16xf32>
      %mul3A_27 = arith.mulf %mul3A_26, %get3A_18 : vector<16xf32>
      %swap3A_28 = arith.index_cast %mul3A_17 : i32 to index
      %swap3A_29 = tpu.vector_load %arg7[%swap3A_28] {strides = array<i32>} : memref<672xf32, #tpu.memory_space<vmem>>, vector<16xf32>,
      tpu.vector_store %arg7[%swap3A_28], %mul3A_27 {strides = array<i32>} : memref<672xf32, #tpu.memory_space<vmem>>, vector<16xf32>,
      %mul3A_30 = arith.constant -2.000000e+00 : f32
      %mul3A_31 = vector.broadcast %mul3A_30 : f32 to vector<16xf32>
      %mul3A_32 = arith.mulf %mul3A_31, %get3A_20 : vector<16xf32>
      %swap3A_33 = arith.index_cast %mul3A_17 : i32 to index
      %swap3A_34 = tpu.vector_load %arg8[%swap3A_33] {strides = array<i32>} : memref<672xf32, #tpu.memory_space<vmem>>, vector<16xf32>,
      tpu.vector_store %arg8[%swap3A_33], %mul3A_32 {strides = array<i32>} : memref<672xf32, #tpu.memory_space<vmem>>, vector<16xf32>,
      %scan3A_35 = arith.constant 1 : i32
      %scan3A_36 = arith.addi %scan3A_15, %scan3A_35 : i32
      %mul3A_37 = arith.constant 16 : i32
      %mul3A_38 = arith.muli %scan3A_36, %mul3A_37 : i32
      %get3A_39 = arith.index_cast %mul3A_38 : i32 to index
      %get3A_40 = tpu.vector_load %arg7[%get3A_39] {strides = array<i32>} : memref<672xf32, #tpu.memory_space<vmem>>, vector<16xf32>,
      %get3A_41 = arith.index_cast %mul3A_38 : i32 to index
      %get3A_42 = tpu.vector_load %arg8[%get3A_41] {strides = array<i32>} : memref<672xf32, #tpu.memory_space<vmem>>, vector<16xf32>,
      %mul3A_43 = arith.mulf %get3A_40, %get3A_40 : vector<16xf32>
      %mul3A_44 = arith.mulf %get3A_42, %get3A_42 : vector<16xf32>
      %add3A_45 = arith.addf %mul3A_43, %mul3A_44 : vector<16xf32>
      %swap3A_46 = arith.index_cast %mul3A_38 : i32 to index
      %swap3A_47 = tpu.vector_load %arg9[%swap3A_46] {strides = array<i32>} : memref<672xf32, #tpu.memory_space<vmem>>, vector<16xf32>,
      tpu.vector_store %arg9[%swap3A_46], %add3A_45 {strides = array<i32>} : memref<672xf32, #tpu.memory_space<vmem>>, vector<16xf32>,
      %mul3A_48 = arith.constant -2.000000e+00 : f32
      %mul3A_49 = vector.broadcast %mul3A_48 : f32 to vector<16xf32>
      %mul3A_50 = arith.mulf %mul3A_49, %get3A_40 : vector<16xf32>
      %swap3A_51 = arith.index_cast %mul3A_38 : i32 to index
      %swap3A_52 = tpu.vector_load %arg7[%swap3A_51] {strides = array<i32>} : memref<672xf32, #tpu.memory_space<vmem>>, vector<16xf32>,
      tpu.vector_store %arg7[%swap3A_51], %mul3A_50 {strides = array<i32>} : memref<672xf32, #tpu.memory_space<vmem>>, vector<16xf32>,
      %mul3A_53 = arith.constant -2.000000e+00 : f32
      %mul3A_54 = vector.broadcast %mul3A_53 : f32 to vector<16xf32>
      %mul3A_55 = arith.mulf %mul3A_54, %get3A_42 : vector<16xf32>
      %swap3A_56 = arith.index_cast %mul3A_38 : i32 to index
      %swap3A_57 = tpu.vector_load %arg8[%swap3A_56] {strides = array<i32>} : memref<672xf32, #tpu.memory_space<vmem>>, vector<16xf32>,
      tpu.vector_store %arg8[%swap3A_56], %mul3A_55 {strides = array<i32>} : memref<672xf32, #tpu.memory_space<vmem>>, vector<16xf32>,
    }
    %scan3A_8 = arith.constant 42 : i32
    %scan3A_9 = arith.constant 0 : i32
    %scan3A_10 = arith.constant 0 : i32
    %scan3A_11 = arith.constant 64 : i32
    %scan3A_12 = arith.addi %scan3A_10, %scan3A_11 : i32
    %scan3A_13 = arith.constant 1 : i32
    scf.for %scan3A_15 = %scan3A_10 to %scan3A_12 step %scan3A_13  : i32 {
      %mul3A_16 = arith.constant 16 : i32
      %mul3A_17 = arith.muli %scan3A_15, %mul3A_16 : i32
      %get3A = arith.index_cast %mul3A_17 : i32 to index
      %get3A_18 = tpu.vector_load %arg10[%get3A] {strides = array<i32>} : memref<1024xf32, #tpu.memory_space<vmem>>, vector<16xf32>,
      %get3A_19 = arith.index_cast %mul3A_17 : i32 to index
      %get3A_20 = tpu.vector_load %arg11[%get3A_19] {strides = array<i32>} : memref<1024xf32, #tpu.memory_space<vmem>>, vector<16xf32>,
      %slice3A = vector.extract_strided_slice %get3A_18 {offsets = [0], sizes = [1], strides = [1]} : vector<16xf32> to vector<1xf32>
      %squeeze3A = vector.extract %slice3A[0] : f32 from vector<1xf32>
      %slice3A_21 = vector.extract_strided_slice %get3A_18 {offsets = [1], sizes = [1], strides = [1]} : vector<16xf32> to vector<1xf32>
      %squeeze3A_22 = vector.extract %slice3A_21[0] : f32 from vector<1xf32>
      %slice3A_23 = vector.extract_strided_slice %get3A_18 {offsets = [2], sizes = [1], strides = [1]} : vector<16xf32> to vector<1xf32>
      %squeeze3A_24 = vector.extract %slice3A_23[0] : f32 from vector<1xf32>
      %slice3A_25 = vector.extract_strided_slice %get3A_18 {offsets = [3], sizes = [1], strides = [1]} : vector<16xf32> to vector<1xf32>
      %squeeze3A_26 = vector.extract %slice3A_25[0] : f32 from vector<1xf32>
      %slice3A_27 = vector.extract_strided_slice %get3A_18 {offsets = [4], sizes = [1], strides = [1]} : vector<16xf32> to vector<1xf32>
      %squeeze3A_28 = vector.extract %slice3A_27[0] : f32 from vector<1xf32>
      %slice3A_29 = vector.extract_strided_slice %get3A_18 {offsets = [5], sizes = [1], strides = [1]} : vector<16xf32> to vector<1xf32>
      %squeeze3A_30 = vector.extract %slice3A_29[0] : f32 from vector<1xf32>
      %slice3A_31 = vector.extract_strided_slice %get3A_18 {offsets = [6], sizes = [1], strides = [1]} : vector<16xf32> to vector<1xf32>
      %squeeze3A_32 = vector.extract %slice3A_31[0] : f32 from vector<1xf32>
      %slice3A_33 = vector.extract_strided_slice %get3A_18 {offsets = [7], sizes = [1], strides = [1]} : vector<16xf32> to vector<1xf32>
      %squeeze3A_34 = vector.extract %slice3A_33[0] : f32 from vector<1xf32>
      %slice3A_35 = vector.extract_strided_slice %get3A_20 {offsets = [0], sizes = [1], strides = [1]} : vector<16xf32> to vector<1xf32>
      %squeeze3A_36 = vector.extract %slice3A_35[0] : f32 from vector<1xf32>
      %slice3A_37 = vector.extract_strided_slice %get3A_20 {offsets = [1], sizes = [1], strides = [1]} : vector<16xf32> to vector<1xf32>
      %squeeze3A_38 = vector.extract %slice3A_37[0] : f32 from vector<1xf32>
      %slice3A_39 = vector.extract_strided_slice %get3A_20 {offsets = [2], sizes = [1], strides = [1]} : vector<16xf32> to vector<1xf32>
      %squeeze3A_40 = vector.extract %slice3A_39[0] : f32 from vector<1xf32>
      %slice3A_41 = vector.extract_strided_slice %get3A_20 {offsets = [3], sizes = [1], strides = [1]} : vector<16xf32> to vector<1xf32>
      %squeeze3A_42 = vector.extract %slice3A_41[0] : f32 from vector<1xf32>
      %slice3A_43 = vector.extract_strided_slice %get3A_20 {offsets = [4], sizes = [1], strides = [1]} : vector<16xf32> to vector<1xf32>
      %squeeze3A_44 = vector.extract %slice3A_43[0] : f32 from vector<1xf32>
      %slice3A_45 = vector.extract_strided_slice %get3A_20 {offsets = [5], sizes = [1], strides = [1]} : vector<16xf32> to vector<1xf32>
      %squeeze3A_46 = vector.extract %slice3A_45[0] : f32 from vector<1xf32>
      %slice3A_47 = vector.extract_strided_slice %get3A_20 {offsets = [6], sizes = [1], strides = [1]} : vector<16xf32> to vector<1xf32>
      %squeeze3A_48 = vector.extract %slice3A_47[0] : f32 from vector<1xf32>
      %slice3A_49 = vector.extract_strided_slice %get3A_20 {offsets = [7], sizes = [1], strides = [1]} : vector<16xf32> to vector<1xf32>
      %squeeze3A_50 = vector.extract %slice3A_49[0] : f32 from vector<1xf32>
      %broadcast_in_dim3A = arith.constant 3.000000e+38 : f32
      %broadcast_in_dim3A_51 = vector.broadcast %broadcast_in_dim3A : f32 to vector<16xf32>
      %broadcast_in_dim3A_52 = arith.constant 3.000000e+38 : f32
      %broadcast_in_dim3A_53 = vector.broadcast %broadcast_in_dim3A_52 : f32 to vector<16xf32>
      %broadcast_in_dim3A_54 = arith.constant 3.000000e+38 : f32
      %broadcast_in_dim3A_55 = vector.broadcast %broadcast_in_dim3A_54 : f32 to vector<16xf32>
      %broadcast_in_dim3A_56 = arith.constant 3.000000e+38 : f32
      %broadcast_in_dim3A_57 = vector.broadcast %broadcast_in_dim3A_56 : f32 to vector<16xf32>
      %broadcast_in_dim3A_58 = arith.constant 3.000000e+38 : f32
      %broadcast_in_dim3A_59 = vector.broadcast %broadcast_in_dim3A_58 : f32 to vector<16xf32>
      %broadcast_in_dim3A_60 = arith.constant 3.000000e+38 : f32
      %broadcast_in_dim3A_61 = vector.broadcast %broadcast_in_dim3A_60 : f32 to vector<16xf32>
      %broadcast_in_dim3A_62 = arith.constant 3.000000e+38 : f32
      %broadcast_in_dim3A_63 = vector.broadcast %broadcast_in_dim3A_62 : f32 to vector<16xf32>
      %broadcast_in_dim3A_64 = arith.constant 3.000000e+38 : f32
      %broadcast_in_dim3A_65 = vector.broadcast %broadcast_in_dim3A_64 : f32 to vector<16xf32>
      %scan3A_66 = arith.constant 0 : i32
      %scan3A_67 = arith.constant 42 : i32
      %scan3A_68 = arith.addi %scan3A_66, %scan3A_67 : i32
      %scan3A_69 = arith.constant 2 : i32
      %scan3A_70:8 = scf.for %scan3A_237 = %scan3A_66 to %scan3A_68 step %scan3A_69 iter_args(%scan3A_238 = %broadcast_in_dim3A_51, %scan3A_239 = %broadcast_in_dim3A_53, %scan3A_240 = %broadcast_in_dim3A_55, %scan3A_241 = %broadcast_in_dim3A_57, %scan3A_242 = %broadcast_in_dim3A_59, %scan3A_243 = %broadcast_in_dim3A_61, %scan3A_244 = %broadcast_in_dim3A_63, %scan3A_245 = %broadcast_in_dim3A_65) -> (vector<16xf32>, vector<16xf32>, vector<16xf32>, vector<16xf32>, vector<16xf32>, vector<16xf32>, vector<16xf32>, vector<16xf32>)  : i32 {
        %mul3A_246 = arith.constant 16 : i32
        %mul3A_247 = arith.muli %scan3A_237, %mul3A_246 : i32
        %get3A_248 = arith.index_cast %mul3A_247 : i32 to index
        %get3A_249 = tpu.vector_load %arg7[%get3A_248] {strides = array<i32>} : memref<672xf32, #tpu.memory_space<vmem>>, vector<16xf32>,
        %get3A_250 = arith.index_cast %mul3A_247 : i32 to index
        %get3A_251 = tpu.vector_load %arg8[%get3A_250] {strides = array<i32>} : memref<672xf32, #tpu.memory_space<vmem>>, vector<16xf32>,
        %get3A_252 = arith.index_cast %mul3A_247 : i32 to index
        %get3A_253 = tpu.vector_load %arg9[%get3A_252] {strides = array<i32>} : memref<672xf32, #tpu.memory_space<vmem>>, vector<16xf32>,
        %mul3A_254 = vector.broadcast %squeeze3A : f32 to vector<16xf32>
        %mul3A_255 = arith.mulf %mul3A_254, %get3A_249 : vector<16xf32>
        %add3A_256 = arith.addf %get3A_253, %mul3A_255 : vector<16xf32>
        %mul3A_257 = vector.broadcast %squeeze3A_36 : f32 to vector<16xf32>
        %mul3A_258 = arith.mulf %mul3A_257, %get3A_251 : vector<16xf32>
        %add3A_259 = arith.addf %add3A_256, %mul3A_258 : vector<16xf32>
        %min3A_260 = arith.minimumf %scan3A_238, %add3A_259 : vector<16xf32>
        %mul3A_261 = vector.broadcast %squeeze3A_22 : f32 to vector<16xf32>
        %mul3A_262 = arith.mulf %mul3A_261, %get3A_249 : vector<16xf32>
        %add3A_263 = arith.addf %get3A_253, %mul3A_262 : vector<16xf32>
        %mul3A_264 = vector.broadcast %squeeze3A_38 : f32 to vector<16xf32>
        %mul3A_265 = arith.mulf %mul3A_264, %get3A_251 : vector<16xf32>
        %add3A_266 = arith.addf %add3A_263, %mul3A_265 : vector<16xf32>
        %min3A_267 = arith.minimumf %scan3A_239, %add3A_266 : vector<16xf32>
        %mul3A_268 = vector.broadcast %squeeze3A_24 : f32 to vector<16xf32>
        %mul3A_269 = arith.mulf %mul3A_268, %get3A_249 : vector<16xf32>
        %add3A_270 = arith.addf %get3A_253, %mul3A_269 : vector<16xf32>
        %mul3A_271 = vector.broadcast %squeeze3A_40 : f32 to vector<16xf32>
        %mul3A_272 = arith.mulf %mul3A_271, %get3A_251 : vector<16xf32>
        %add3A_273 = arith.addf %add3A_270, %mul3A_272 : vector<16xf32>
        %min3A_274 = arith.minimumf %scan3A_240, %add3A_273 : vector<16xf32>
        %mul3A_275 = vector.broadcast %squeeze3A_26 : f32 to vector<16xf32>
        %mul3A_276 = arith.mulf %mul3A_275, %get3A_249 : vector<16xf32>
        %add3A_277 = arith.addf %get3A_253, %mul3A_276 : vector<16xf32>
        %mul3A_278 = vector.broadcast %squeeze3A_42 : f32 to vector<16xf32>
        %mul3A_279 = arith.mulf %mul3A_278, %get3A_251 : vector<16xf32>
        %add3A_280 = arith.addf %add3A_277, %mul3A_279 : vector<16xf32>
        %min3A_281 = arith.minimumf %scan3A_241, %add3A_280 : vector<16xf32>
        %mul3A_282 = vector.broadcast %squeeze3A_28 : f32 to vector<16xf32>
        %mul3A_283 = arith.mulf %mul3A_282, %get3A_249 : vector<16xf32>
        %add3A_284 = arith.addf %get3A_253, %mul3A_283 : vector<16xf32>
        %mul3A_285 = vector.broadcast %squeeze3A_44 : f32 to vector<16xf32>
        %mul3A_286 = arith.mulf %mul3A_285, %get3A_251 : vector<16xf32>
        %add3A_287 = arith.addf %add3A_284, %mul3A_286 : vector<16xf32>
        %min3A_288 = arith.minimumf %scan3A_242, %add3A_287 : vector<16xf32>
        %mul3A_289 = vector.broadcast %squeeze3A_30 : f32 to vector<16xf32>
        %mul3A_290 = arith.mulf %mul3A_289, %get3A_249 : vector<16xf32>
        %add3A_291 = arith.addf %get3A_253, %mul3A_290 : vector<16xf32>
        %mul3A_292 = vector.broadcast %squeeze3A_46 : f32 to vector<16xf32>
        %mul3A_293 = arith.mulf %mul3A_292, %get3A_251 : vector<16xf32>
        %add3A_294 = arith.addf %add3A_291, %mul3A_293 : vector<16xf32>
        %min3A_295 = arith.minimumf %scan3A_243, %add3A_294 : vector<16xf32>
        %mul3A_296 = vector.broadcast %squeeze3A_32 : f32 to vector<16xf32>
        %mul3A_297 = arith.mulf %mul3A_296, %get3A_249 : vector<16xf32>
        %add3A_298 = arith.addf %get3A_253, %mul3A_297 : vector<16xf32>
        %mul3A_299 = vector.broadcast %squeeze3A_48 : f32 to vector<16xf32>
        %mul3A_300 = arith.mulf %mul3A_299, %get3A_251 : vector<16xf32>
        %add3A_301 = arith.addf %add3A_298, %mul3A_300 : vector<16xf32>
        %min3A_302 = arith.minimumf %scan3A_244, %add3A_301 : vector<16xf32>
        %mul3A_303 = vector.broadcast %squeeze3A_34 : f32 to vector<16xf32>
        %mul3A_304 = arith.mulf %mul3A_303, %get3A_249 : vector<16xf32>
        %add3A_305 = arith.addf %get3A_253, %mul3A_304 : vector<16xf32>
        %mul3A_306 = vector.broadcast %squeeze3A_50 : f32 to vector<16xf32>
        %mul3A_307 = arith.mulf %mul3A_306, %get3A_251 : vector<16xf32>
        %add3A_308 = arith.addf %add3A_305, %mul3A_307 : vector<16xf32>
        %min3A_309 = arith.minimumf %scan3A_245, %add3A_308 : vector<16xf32>
        %scan3A_310 = arith.constant 1 : i32
        %scan3A_311 = arith.addi %scan3A_237, %scan3A_310 : i32
        %mul3A_312 = arith.constant 16 : i32
        %mul3A_313 = arith.muli %scan3A_311, %mul3A_312 : i32
        %get3A_314 = arith.index_cast %mul3A_313 : i32 to index
        %get3A_315 = tpu.vector_load %arg7[%get3A_314] {strides = array<i32>} : memref<672xf32, #tpu.memory_space<vmem>>, vector<16xf32>,
        %get3A_316 = arith.index_cast %mul3A_313 : i32 to index
        %get3A_317 = tpu.vector_load %arg8[%get3A_316] {strides = array<i32>} : memref<672xf32, #tpu.memory_space<vmem>>, vector<16xf32>,
        %get3A_318 = arith.index_cast %mul3A_313 : i32 to index
        %get3A_319 = tpu.vector_load %arg9[%get3A_318] {strides = array<i32>} : memref<672xf32, #tpu.memory_space<vmem>>, vector<16xf32>,
        %mul3A_320 = vector.broadcast %squeeze3A : f32 to vector<16xf32>
        %mul3A_321 = arith.mulf %mul3A_320, %get3A_315 : vector<16xf32>
        %add3A_322 = arith.addf %get3A_319, %mul3A_321 : vector<16xf32>
        %mul3A_323 = vector.broadcast %squeeze3A_36 : f32 to vector<16xf32>
        %mul3A_324 = arith.mulf %mul3A_323, %get3A_317 : vector<16xf32>
        %add3A_325 = arith.addf %add3A_322, %mul3A_324 : vector<16xf32>
        %min3A_326 = arith.minimumf %min3A_260, %add3A_325 : vector<16xf32>
        %mul3A_327 = vector.broadcast %squeeze3A_22 : f32 to vector<16xf32>
        %mul3A_328 = arith.mulf %mul3A_327, %get3A_315 : vector<16xf32>
        %add3A_329 = arith.addf %get3A_319, %mul3A_328 : vector<16xf32>
        %mul3A_330 = vector.broadcast %squeeze3A_38 : f32 to vector<16xf32>
        %mul3A_331 = arith.mulf %mul3A_330, %get3A_317 : vector<16xf32>
        %add3A_332 = arith.addf %add3A_329, %mul3A_331 : vector<16xf32>
        %min3A_333 = arith.minimumf %min3A_267, %add3A_332 : vector<16xf32>
        %mul3A_334 = vector.broadcast %squeeze3A_24 : f32 to vector<16xf32>
        %mul3A_335 = arith.mulf %mul3A_334, %get3A_315 : vector<16xf32>
        %add3A_336 = arith.addf %get3A_319, %mul3A_335 : vector<16xf32>
        %mul3A_337 = vector.broadcast %squeeze3A_40 : f32 to vector<16xf32>
        %mul3A_338 = arith.mulf %mul3A_337, %get3A_317 : vector<16xf32>
        %add3A_339 = arith.addf %add3A_336, %mul3A_338 : vector<16xf32>
        %min3A_340 = arith.minimumf %min3A_274, %add3A_339 : vector<16xf32>
        %mul3A_341 = vector.broadcast %squeeze3A_26 : f32 to vector<16xf32>
        %mul3A_342 = arith.mulf %mul3A_341, %get3A_315 : vector<16xf32>
        %add3A_343 = arith.addf %get3A_319, %mul3A_342 : vector<16xf32>
        %mul3A_344 = vector.broadcast %squeeze3A_42 : f32 to vector<16xf32>
        %mul3A_345 = arith.mulf %mul3A_344, %get3A_317 : vector<16xf32>
        %add3A_346 = arith.addf %add3A_343, %mul3A_345 : vector<16xf32>
        %min3A_347 = arith.minimumf %min3A_281, %add3A_346 : vector<16xf32>
        %mul3A_348 = vector.broadcast %squeeze3A_28 : f32 to vector<16xf32>
        %mul3A_349 = arith.mulf %mul3A_348, %get3A_315 : vector<16xf32>
        %add3A_350 = arith.addf %get3A_319, %mul3A_349 : vector<16xf32>
        %mul3A_351 = vector.broadcast %squeeze3A_44 : f32 to vector<16xf32>
        %mul3A_352 = arith.mulf %mul3A_351, %get3A_317 : vector<16xf32>
        %add3A_353 = arith.addf %add3A_350, %mul3A_352 : vector<16xf32>
        %min3A_354 = arith.minimumf %min3A_288, %add3A_353 : vector<16xf32>
        %mul3A_355 = vector.broadcast %squeeze3A_30 : f32 to vector<16xf32>
        %mul3A_356 = arith.mulf %mul3A_355, %get3A_315 : vector<16xf32>
        %add3A_357 = arith.addf %get3A_319, %mul3A_356 : vector<16xf32>
        %mul3A_358 = vector.broadcast %squeeze3A_46 : f32 to vector<16xf32>
        %mul3A_359 = arith.mulf %mul3A_358, %get3A_317 : vector<16xf32>
        %add3A_360 = arith.addf %add3A_357, %mul3A_359 : vector<16xf32>
        %min3A_361 = arith.minimumf %min3A_295, %add3A_360 : vector<16xf32>
        %mul3A_362 = vector.broadcast %squeeze3A_32 : f32 to vector<16xf32>
        %mul3A_363 = arith.mulf %mul3A_362, %get3A_315 : vector<16xf32>
        %add3A_364 = arith.addf %get3A_319, %mul3A_363 : vector<16xf32>
        %mul3A_365 = vector.broadcast %squeeze3A_48 : f32 to vector<16xf32>
        %mul3A_366 = arith.mulf %mul3A_365, %get3A_317 : vector<16xf32>
        %add3A_367 = arith.addf %add3A_364, %mul3A_366 : vector<16xf32>
        %min3A_368 = arith.minimumf %min3A_302, %add3A_367 : vector<16xf32>
        %mul3A_369 = vector.broadcast %squeeze3A_34 : f32 to vector<16xf32>
        %mul3A_370 = arith.mulf %mul3A_369, %get3A_315 : vector<16xf32>
        %add3A_371 = arith.addf %get3A_319, %mul3A_370 : vector<16xf32>
        %mul3A_372 = vector.broadcast %squeeze3A_50 : f32 to vector<16xf32>
        %mul3A_373 = arith.mulf %mul3A_372, %get3A_317 : vector<16xf32>
        %add3A_374 = arith.addf %add3A_371, %mul3A_373 : vector<16xf32>
        %min3A_375 = arith.minimumf %min3A_309, %add3A_374 : vector<16xf32>
        scf.yield %min3A_326, %min3A_333, %min3A_340, %min3A_347, %min3A_354, %min3A_361, %min3A_368, %min3A_375 : vector<16xf32>, vector<16xf32>, vector<16xf32>, vector<16xf32>, vector<16xf32>, vector<16xf32>, vector<16xf32>, vector<16xf32>
      }
      %scan3A_71 = arith.constant 42 : i32
      %swap3A = arith.constant 0 : index
      %swap3A_72 = tpu.vector_load %arg13[%swap3A] {strides = array<i32>} : memref<256xf32, #tpu.memory_space<vmem>>, vector<16xf32>,
      tpu.vector_store %arg13[%swap3A], %scan3A_70#0 {strides = array<i32>} : memref<256xf32, #tpu.memory_space<vmem>>, vector<16xf32>,
      %swap3A_73 = arith.constant 16 : index
      %swap3A_74 = tpu.vector_load %arg13[%swap3A_73] {strides = array<i32>} : memref<256xf32, #tpu.memory_space<vmem>>, vector<16xf32>,
      tpu.vector_store %arg13[%swap3A_73], %scan3A_70#1 {strides = array<i32>} : memref<256xf32, #tpu.memory_space<vmem>>, vector<16xf32>,
      %swap3A_75 = arith.constant 32 : index
      %swap3A_76 = tpu.vector_load %arg13[%swap3A_75] {strides = array<i32>} : memref<256xf32, #tpu.memory_space<vmem>>, vector<16xf32>,
      tpu.vector_store %arg13[%swap3A_75], %scan3A_70#2 {strides = array<i32>} : memref<256xf32, #tpu.memory_space<vmem>>, vector<16xf32>,
      %swap3A_77 = arith.constant 48 : index
      %swap3A_78 = tpu.vector_load %arg13[%swap3A_77] {strides = array<i32>} : memref<256xf32, #tpu.memory_space<vmem>>, vector<16xf32>,
      tpu.vector_store %arg13[%swap3A_77], %scan3A_70#3 {strides = array<i32>} : memref<256xf32, #tpu.memory_space<vmem>>, vector<16xf32>,
      %swap3A_79 = arith.constant 64 : index
      %swap3A_80 = tpu.vector_load %arg13[%swap3A_79] {strides = array<i32>} : memref<256xf32, #tpu.memory_space<vmem>>, vector<16xf32>,
      tpu.vector_store %arg13[%swap3A_79], %scan3A_70#4 {strides = array<i32>} : memref<256xf32, #tpu.memory_space<vmem>>, vector<16xf32>,
      %swap3A_81 = arith.constant 80 : index
      %swap3A_82 = tpu.vector_load %arg13[%swap3A_81] {strides = array<i32>} : memref<256xf32, #tpu.memory_space<vmem>>, vector<16xf32>,
      tpu.vector_store %arg13[%swap3A_81], %scan3A_70#5 {strides = array<i32>} : memref<256xf32, #tpu.memory_space<vmem>>, vector<16xf32>,
      %swap3A_83 = arith.constant 96 : index
      %swap3A_84 = tpu.vector_load %arg13[%swap3A_83] {strides = array<i32>} : memref<256xf32, #tpu.memory_space<vmem>>, vector<16xf32>,
      tpu.vector_store %arg13[%swap3A_83], %scan3A_70#6 {strides = array<i32>} : memref<256xf32, #tpu.memory_space<vmem>>, vector<16xf32>,
      %swap3A_85 = arith.constant 112 : index
      %swap3A_86 = tpu.vector_load %arg13[%swap3A_85] {strides = array<i32>} : memref<256xf32, #tpu.memory_space<vmem>>, vector<16xf32>,
      tpu.vector_store %arg13[%swap3A_85], %scan3A_70#7 {strides = array<i32>} : memref<256xf32, #tpu.memory_space<vmem>>, vector<16xf32>,
      %slice3A_87 = vector.extract_strided_slice %get3A_18 {offsets = [8], sizes = [1], strides = [1]} : vector<16xf32> to vector<1xf32>
      %squeeze3A_88 = vector.extract %slice3A_87[0] : f32 from vector<1xf32>
      %slice3A_89 = vector.extract_strided_slice %get3A_18 {offsets = [9], sizes = [1], strides = [1]} : vector<16xf32> to vector<1xf32>
      %squeeze3A_90 = vector.extract %slice3A_89[0] : f32 from vector<1xf32>
      %slice3A_91 = vector.extract_strided_slice %get3A_18 {offsets = [10], sizes = [1], strides = [1]} : vector<16xf32> to vector<1xf32>
      %squeeze3A_92 = vector.extract %slice3A_91[0] : f32 from vector<1xf32>
      %slice3A_93 = vector.extract_strided_slice %get3A_18 {offsets = [11], sizes = [1], strides = [1]} : vector<16xf32> to vector<1xf32>
      %squeeze3A_94 = vector.extract %slice3A_93[0] : f32 from vector<1xf32>
      %slice3A_95 = vector.extract_strided_slice %get3A_18 {offsets = [12], sizes = [1], strides = [1]} : vector<16xf32> to vector<1xf32>
      %squeeze3A_96 = vector.extract %slice3A_95[0] : f32 from vector<1xf32>
      %slice3A_97 = vector.extract_strided_slice %get3A_18 {offsets = [13], sizes = [1], strides = [1]} : vector<16xf32> to vector<1xf32>
      %squeeze3A_98 = vector.extract %slice3A_97[0] : f32 from vector<1xf32>
      %slice3A_99 = vector.extract_strided_slice %get3A_18 {offsets = [14], sizes = [1], strides = [1]} : vector<16xf32> to vector<1xf32>
      %squeeze3A_100 = vector.extract %slice3A_99[0] : f32 from vector<1xf32>
      %slice3A_101 = vector.extract_strided_slice %get3A_18 {offsets = [15], sizes = [1], strides = [1]} : vector<16xf32> to vector<1xf32>
      %squeeze3A_102 = vector.extract %slice3A_101[0] : f32 from vector<1xf32>
      %slice3A_103 = vector.extract_strided_slice %get3A_20 {offsets = [8], sizes = [1], strides = [1]} : vector<16xf32> to vector<1xf32>
      %squeeze3A_104 = vector.extract %slice3A_103[0] : f32 from vector<1xf32>
      %slice3A_105 = vector.extract_strided_slice %get3A_20 {offsets = [9], sizes = [1], strides = [1]} : vector<16xf32> to vector<1xf32>
      %squeeze3A_106 = vector.extract %slice3A_105[0] : f32 from vector<1xf32>
      %slice3A_107 = vector.extract_strided_slice %get3A_20 {offsets = [10], sizes = [1], strides = [1]} : vector<16xf32> to vector<1xf32>
      %squeeze3A_108 = vector.extract %slice3A_107[0] : f32 from vector<1xf32>
      %slice3A_109 = vector.extract_strided_slice %get3A_20 {offsets = [11], sizes = [1], strides = [1]} : vector<16xf32> to vector<1xf32>
      %squeeze3A_110 = vector.extract %slice3A_109[0] : f32 from vector<1xf32>
      %slice3A_111 = vector.extract_strided_slice %get3A_20 {offsets = [12], sizes = [1], strides = [1]} : vector<16xf32> to vector<1xf32>
      %squeeze3A_112 = vector.extract %slice3A_111[0] : f32 from vector<1xf32>
      %slice3A_113 = vector.extract_strided_slice %get3A_20 {offsets = [13], sizes = [1], strides = [1]} : vector<16xf32> to vector<1xf32>
      %squeeze3A_114 = vector.extract %slice3A_113[0] : f32 from vector<1xf32>
      %slice3A_115 = vector.extract_strided_slice %get3A_20 {offsets = [14], sizes = [1], strides = [1]} : vector<16xf32> to vector<1xf32>
      %squeeze3A_116 = vector.extract %slice3A_115[0] : f32 from vector<1xf32>
      %slice3A_117 = vector.extract_strided_slice %get3A_20 {offsets = [15], sizes = [1], strides = [1]} : vector<16xf32> to vector<1xf32>
      %squeeze3A_118 = vector.extract %slice3A_117[0] : f32 from vector<1xf32>
      %broadcast_in_dim3A_119 = arith.constant 3.000000e+38 : f32
      %broadcast_in_dim3A_120 = vector.broadcast %broadcast_in_dim3A_119 : f32 to vector<16xf32>
      %broadcast_in_dim3A_121 = arith.constant 3.000000e+38 : f32
      %broadcast_in_dim3A_122 = vector.broadcast %broadcast_in_dim3A_121 : f32 to vector<16xf32>
      %broadcast_in_dim3A_123 = arith.constant 3.000000e+38 : f32
      %broadcast_in_dim3A_124 = vector.broadcast %broadcast_in_dim3A_123 : f32 to vector<16xf32>
      %broadcast_in_dim3A_125 = arith.constant 3.000000e+38 : f32
      %broadcast_in_dim3A_126 = vector.broadcast %broadcast_in_dim3A_125 : f32 to vector<16xf32>
      %broadcast_in_dim3A_127 = arith.constant 3.000000e+38 : f32
      %broadcast_in_dim3A_128 = vector.broadcast %broadcast_in_dim3A_127 : f32 to vector<16xf32>
      %broadcast_in_dim3A_129 = arith.constant 3.000000e+38 : f32
      %broadcast_in_dim3A_130 = vector.broadcast %broadcast_in_dim3A_129 : f32 to vector<16xf32>
      %broadcast_in_dim3A_131 = arith.constant 3.000000e+38 : f32
      %broadcast_in_dim3A_132 = vector.broadcast %broadcast_in_dim3A_131 : f32 to vector<16xf32>
      %broadcast_in_dim3A_133 = arith.constant 3.000000e+38 : f32
      %broadcast_in_dim3A_134 = vector.broadcast %broadcast_in_dim3A_133 : f32 to vector<16xf32>
      %scan3A_135 = arith.constant 0 : i32
      %scan3A_136 = arith.constant 42 : i32
      %scan3A_137 = arith.addi %scan3A_135, %scan3A_136 : i32
      %scan3A_138 = arith.constant 2 : i32
      %scan3A_139:8 = scf.for %scan3A_237 = %scan3A_135 to %scan3A_137 step %scan3A_138 iter_args(%scan3A_238 = %broadcast_in_dim3A_120, %scan3A_239 = %broadcast_in_dim3A_122, %scan3A_240 = %broadcast_in_dim3A_124, %scan3A_241 = %broadcast_in_dim3A_126, %scan3A_242 = %broadcast_in_dim3A_128, %scan3A_243 = %broadcast_in_dim3A_130, %scan3A_244 = %broadcast_in_dim3A_132, %scan3A_245 = %broadcast_in_dim3A_134) -> (vector<16xf32>, vector<16xf32>, vector<16xf32>, vector<16xf32>, vector<16xf32>, vector<16xf32>, vector<16xf32>, vector<16xf32>)  : i32 {
        %mul3A_246 = arith.constant 16 : i32
        %mul3A_247 = arith.muli %scan3A_237, %mul3A_246 : i32
        %get3A_248 = arith.index_cast %mul3A_247 : i32 to index
        %get3A_249 = tpu.vector_load %arg7[%get3A_248] {strides = array<i32>} : memref<672xf32, #tpu.memory_space<vmem>>, vector<16xf32>,
        %get3A_250 = arith.index_cast %mul3A_247 : i32 to index
        %get3A_251 = tpu.vector_load %arg8[%get3A_250] {strides = array<i32>} : memref<672xf32, #tpu.memory_space<vmem>>, vector<16xf32>,
        %get3A_252 = arith.index_cast %mul3A_247 : i32 to index
        %get3A_253 = tpu.vector_load %arg9[%get3A_252] {strides = array<i32>} : memref<672xf32, #tpu.memory_space<vmem>>, vector<16xf32>,
        %mul3A_254 = vector.broadcast %squeeze3A_88 : f32 to vector<16xf32>
        %mul3A_255 = arith.mulf %mul3A_254, %get3A_249 : vector<16xf32>
        %add3A_256 = arith.addf %get3A_253, %mul3A_255 : vector<16xf32>
        %mul3A_257 = vector.broadcast %squeeze3A_104 : f32 to vector<16xf32>
        %mul3A_258 = arith.mulf %mul3A_257, %get3A_251 : vector<16xf32>
        %add3A_259 = arith.addf %add3A_256, %mul3A_258 : vector<16xf32>
        %min3A_260 = arith.minimumf %scan3A_238, %add3A_259 : vector<16xf32>
        %mul3A_261 = vector.broadcast %squeeze3A_90 : f32 to vector<16xf32>
        %mul3A_262 = arith.mulf %mul3A_261, %get3A_249 : vector<16xf32>
        %add3A_263 = arith.addf %get3A_253, %mul3A_262 : vector<16xf32>
        %mul3A_264 = vector.broadcast %squeeze3A_106 : f32 to vector<16xf32>
        %mul3A_265 = arith.mulf %mul3A_264, %get3A_251 : vector<16xf32>
        %add3A_266 = arith.addf %add3A_263, %mul3A_265 : vector<16xf32>
        %min3A_267 = arith.minimumf %scan3A_239, %add3A_266 : vector<16xf32>
        %mul3A_268 = vector.broadcast %squeeze3A_92 : f32 to vector<16xf32>
        %mul3A_269 = arith.mulf %mul3A_268, %get3A_249 : vector<16xf32>
        %add3A_270 = arith.addf %get3A_253, %mul3A_269 : vector<16xf32>
        %mul3A_271 = vector.broadcast %squeeze3A_108 : f32 to vector<16xf32>
        %mul3A_272 = arith.mulf %mul3A_271, %get3A_251 : vector<16xf32>
        %add3A_273 = arith.addf %add3A_270, %mul3A_272 : vector<16xf32>
        %min3A_274 = arith.minimumf %scan3A_240, %add3A_273 : vector<16xf32>
        %mul3A_275 = vector.broadcast %squeeze3A_94 : f32 to vector<16xf32>
        %mul3A_276 = arith.mulf %mul3A_275, %get3A_249 : vector<16xf32>
        %add3A_277 = arith.addf %get3A_253, %mul3A_276 : vector<16xf32>
        %mul3A_278 = vector.broadcast %squeeze3A_110 : f32 to vector<16xf32>
        %mul3A_279 = arith.mulf %mul3A_278, %get3A_251 : vector<16xf32>
        %add3A_280 = arith.addf %add3A_277, %mul3A_279 : vector<16xf32>
        %min3A_281 = arith.minimumf %scan3A_241, %add3A_280 : vector<16xf32>
        %mul3A_282 = vector.broadcast %squeeze3A_96 : f32 to vector<16xf32>
        %mul3A_283 = arith.mulf %mul3A_282, %get3A_249 : vector<16xf32>
        %add3A_284 = arith.addf %get3A_253, %mul3A_283 : vector<16xf32>
        %mul3A_285 = vector.broadcast %squeeze3A_112 : f32 to vector<16xf32>
        %mul3A_286 = arith.mulf %mul3A_285, %get3A_251 : vector<16xf32>
        %add3A_287 = arith.addf %add3A_284, %mul3A_286 : vector<16xf32>
        %min3A_288 = arith.minimumf %scan3A_242, %add3A_287 : vector<16xf32>
        %mul3A_289 = vector.broadcast %squeeze3A_98 : f32 to vector<16xf32>
        %mul3A_290 = arith.mulf %mul3A_289, %get3A_249 : vector<16xf32>
        %add3A_291 = arith.addf %get3A_253, %mul3A_290 : vector<16xf32>
        %mul3A_292 = vector.broadcast %squeeze3A_114 : f32 to vector<16xf32>
        %mul3A_293 = arith.mulf %mul3A_292, %get3A_251 : vector<16xf32>
        %add3A_294 = arith.addf %add3A_291, %mul3A_293 : vector<16xf32>
        %min3A_295 = arith.minimumf %scan3A_243, %add3A_294 : vector<16xf32>
        %mul3A_296 = vector.broadcast %squeeze3A_100 : f32 to vector<16xf32>
        %mul3A_297 = arith.mulf %mul3A_296, %get3A_249 : vector<16xf32>
        %add3A_298 = arith.addf %get3A_253, %mul3A_297 : vector<16xf32>
        %mul3A_299 = vector.broadcast %squeeze3A_116 : f32 to vector<16xf32>
        %mul3A_300 = arith.mulf %mul3A_299, %get3A_251 : vector<16xf32>
        %add3A_301 = arith.addf %add3A_298, %mul3A_300 : vector<16xf32>
        %min3A_302 = arith.minimumf %scan3A_244, %add3A_301 : vector<16xf32>
        %mul3A_303 = vector.broadcast %squeeze3A_102 : f32 to vector<16xf32>
        %mul3A_304 = arith.mulf %mul3A_303, %get3A_249 : vector<16xf32>
        %add3A_305 = arith.addf %get3A_253, %mul3A_304 : vector<16xf32>
        %mul3A_306 = vector.broadcast %squeeze3A_118 : f32 to vector<16xf32>
        %mul3A_307 = arith.mulf %mul3A_306, %get3A_251 : vector<16xf32>
        %add3A_308 = arith.addf %add3A_305, %mul3A_307 : vector<16xf32>
        %min3A_309 = arith.minimumf %scan3A_245, %add3A_308 : vector<16xf32>
        %scan3A_310 = arith.constant 1 : i32
        %scan3A_311 = arith.addi %scan3A_237, %scan3A_310 : i32
        %mul3A_312 = arith.constant 16 : i32
        %mul3A_313 = arith.muli %scan3A_311, %mul3A_312 : i32
        %get3A_314 = arith.index_cast %mul3A_313 : i32 to index
        %get3A_315 = tpu.vector_load %arg7[%get3A_314] {strides = array<i32>} : memref<672xf32, #tpu.memory_space<vmem>>, vector<16xf32>,
        %get3A_316 = arith.index_cast %mul3A_313 : i32 to index
        %get3A_317 = tpu.vector_load %arg8[%get3A_316] {strides = array<i32>} : memref<672xf32, #tpu.memory_space<vmem>>, vector<16xf32>,
        %get3A_318 = arith.index_cast %mul3A_313 : i32 to index
        %get3A_319 = tpu.vector_load %arg9[%get3A_318] {strides = array<i32>} : memref<672xf32, #tpu.memory_space<vmem>>, vector<16xf32>,
        %mul3A_320 = vector.broadcast %squeeze3A_88 : f32 to vector<16xf32>
        %mul3A_321 = arith.mulf %mul3A_320, %get3A_315 : vector<16xf32>
        %add3A_322 = arith.addf %get3A_319, %mul3A_321 : vector<16xf32>
        %mul3A_323 = vector.broadcast %squeeze3A_104 : f32 to vector<16xf32>
        %mul3A_324 = arith.mulf %mul3A_323, %get3A_317 : vector<16xf32>
        %add3A_325 = arith.addf %add3A_322, %mul3A_324 : vector<16xf32>
        %min3A_326 = arith.minimumf %min3A_260, %add3A_325 : vector<16xf32>
        %mul3A_327 = vector.broadcast %squeeze3A_90 : f32 to vector<16xf32>
        %mul3A_328 = arith.mulf %mul3A_327, %get3A_315 : vector<16xf32>
        %add3A_329 = arith.addf %get3A_319, %mul3A_328 : vector<16xf32>
        %mul3A_330 = vector.broadcast %squeeze3A_106 : f32 to vector<16xf32>
        %mul3A_331 = arith.mulf %mul3A_330, %get3A_317 : vector<16xf32>
        %add3A_332 = arith.addf %add3A_329, %mul3A_331 : vector<16xf32>
        %min3A_333 = arith.minimumf %min3A_267, %add3A_332 : vector<16xf32>
        %mul3A_334 = vector.broadcast %squeeze3A_92 : f32 to vector<16xf32>
        %mul3A_335 = arith.mulf %mul3A_334, %get3A_315 : vector<16xf32>
        %add3A_336 = arith.addf %get3A_319, %mul3A_335 : vector<16xf32>
        %mul3A_337 = vector.broadcast %squeeze3A_108 : f32 to vector<16xf32>
        %mul3A_338 = arith.mulf %mul3A_337, %get3A_317 : vector<16xf32>
        %add3A_339 = arith.addf %add3A_336, %mul3A_338 : vector<16xf32>
        %min3A_340 = arith.minimumf %min3A_274, %add3A_339 : vector<16xf32>
        %mul3A_341 = vector.broadcast %squeeze3A_94 : f32 to vector<16xf32>
        %mul3A_342 = arith.mulf %mul3A_341, %get3A_315 : vector<16xf32>
        %add3A_343 = arith.addf %get3A_319, %mul3A_342 : vector<16xf32>
        %mul3A_344 = vector.broadcast %squeeze3A_110 : f32 to vector<16xf32>
        %mul3A_345 = arith.mulf %mul3A_344, %get3A_317 : vector<16xf32>
        %add3A_346 = arith.addf %add3A_343, %mul3A_345 : vector<16xf32>
        %min3A_347 = arith.minimumf %min3A_281, %add3A_346 : vector<16xf32>
        %mul3A_348 = vector.broadcast %squeeze3A_96 : f32 to vector<16xf32>
        %mul3A_349 = arith.mulf %mul3A_348, %get3A_315 : vector<16xf32>
        %add3A_350 = arith.addf %get3A_319, %mul3A_349 : vector<16xf32>
        %mul3A_351 = vector.broadcast %squeeze3A_112 : f32 to vector<16xf32>
        %mul3A_352 = arith.mulf %mul3A_351, %get3A_317 : vector<16xf32>
        %add3A_353 = arith.addf %add3A_350, %mul3A_352 : vector<16xf32>
        %min3A_354 = arith.minimumf %min3A_288, %add3A_353 : vector<16xf32>
        %mul3A_355 = vector.broadcast %squeeze3A_98 : f32 to vector<16xf32>
        %mul3A_356 = arith.mulf %mul3A_355, %get3A_315 : vector<16xf32>
        %add3A_357 = arith.addf %get3A_319, %mul3A_356 : vector<16xf32>
        %mul3A_358 = vector.broadcast %squeeze3A_114 : f32 to vector<16xf32>
        %mul3A_359 = arith.mulf %mul3A_358, %get3A_317 : vector<16xf32>
        %add3A_360 = arith.addf %add3A_357, %mul3A_359 : vector<16xf32>
        %min3A_361 = arith.minimumf %min3A_295, %add3A_360 : vector<16xf32>
        %mul3A_362 = vector.broadcast %squeeze3A_100 : f32 to vector<16xf32>
        %mul3A_363 = arith.mulf %mul3A_362, %get3A_315 : vector<16xf32>
        %add3A_364 = arith.addf %get3A_319, %mul3A_363 : vector<16xf32>
        %mul3A_365 = vector.broadcast %squeeze3A_116 : f32 to vector<16xf32>
        %mul3A_366 = arith.mulf %mul3A_365, %get3A_317 : vector<16xf32>
        %add3A_367 = arith.addf %add3A_364, %mul3A_366 : vector<16xf32>
        %min3A_368 = arith.minimumf %min3A_302, %add3A_367 : vector<16xf32>
        %mul3A_369 = vector.broadcast %squeeze3A_102 : f32 to vector<16xf32>
        %mul3A_370 = arith.mulf %mul3A_369, %get3A_315 : vector<16xf32>
        %add3A_371 = arith.addf %get3A_319, %mul3A_370 : vector<16xf32>
        %mul3A_372 = vector.broadcast %squeeze3A_118 : f32 to vector<16xf32>
        %mul3A_373 = arith.mulf %mul3A_372, %get3A_317 : vector<16xf32>
        %add3A_374 = arith.addf %add3A_371, %mul3A_373 : vector<16xf32>
        %min3A_375 = arith.minimumf %min3A_309, %add3A_374 : vector<16xf32>
        scf.yield %min3A_326, %min3A_333, %min3A_340, %min3A_347, %min3A_354, %min3A_361, %min3A_368, %min3A_375 : vector<16xf32>, vector<16xf32>, vector<16xf32>, vector<16xf32>, vector<16xf32>, vector<16xf32>, vector<16xf32>, vector<16xf32>
      }
      %scan3A_140 = arith.constant 42 : i32
      %swap3A_141 = arith.constant 128 : index
      %swap3A_142 = tpu.vector_load %arg13[%swap3A_141] {strides = array<i32>} : memref<256xf32, #tpu.memory_space<vmem>>, vector<16xf32>,
      tpu.vector_store %arg13[%swap3A_141], %scan3A_139#0 {strides = array<i32>} : memref<256xf32, #tpu.memory_space<vmem>>, vector<16xf32>,
      %swap3A_143 = arith.constant 144 : index
      %swap3A_144 = tpu.vector_load %arg13[%swap3A_143] {strides = array<i32>} : memref<256xf32, #tpu.memory_space<vmem>>, vector<16xf32>,
      tpu.vector_store %arg13[%swap3A_143], %scan3A_139#1 {strides = array<i32>} : memref<256xf32, #tpu.memory_space<vmem>>, vector<16xf32>,
      %swap3A_145 = arith.constant 160 : index
      %swap3A_146 = tpu.vector_load %arg13[%swap3A_145] {strides = array<i32>} : memref<256xf32, #tpu.memory_space<vmem>>, vector<16xf32>,
      tpu.vector_store %arg13[%swap3A_145], %scan3A_139#2 {strides = array<i32>} : memref<256xf32, #tpu.memory_space<vmem>>, vector<16xf32>,
      %swap3A_147 = arith.constant 176 : index
      %swap3A_148 = tpu.vector_load %arg13[%swap3A_147] {strides = array<i32>} : memref<256xf32, #tpu.memory_space<vmem>>, vector<16xf32>,
      tpu.vector_store %arg13[%swap3A_147], %scan3A_139#3 {strides = array<i32>} : memref<256xf32, #tpu.memory_space<vmem>>, vector<16xf32>,
      %swap3A_149 = arith.constant 192 : index
      %swap3A_150 = tpu.vector_load %arg13[%swap3A_149] {strides = array<i32>} : memref<256xf32, #tpu.memory_space<vmem>>, vector<16xf32>,
      tpu.vector_store %arg13[%swap3A_149], %scan3A_139#4 {strides = array<i32>} : memref<256xf32, #tpu.memory_space<vmem>>, vector<16xf32>,
      %swap3A_151 = arith.constant 208 : index
      %swap3A_152 = tpu.vector_load %arg13[%swap3A_151] {strides = array<i32>} : memref<256xf32, #tpu.memory_space<vmem>>, vector<16xf32>,
      tpu.vector_store %arg13[%swap3A_151], %scan3A_139#5 {strides = array<i32>} : memref<256xf32, #tpu.memory_space<vmem>>, vector<16xf32>,
      %swap3A_153 = arith.constant 224 : index
      %swap3A_154 = tpu.vector_load %arg13[%swap3A_153] {strides = array<i32>} : memref<256xf32, #tpu.memory_space<vmem>>, vector<16xf32>,
      tpu.vector_store %arg13[%swap3A_153], %scan3A_139#6 {strides = array<i32>} : memref<256xf32, #tpu.memory_space<vmem>>, vector<16xf32>,
      %swap3A_155 = arith.constant 240 : index
      %swap3A_156 = tpu.vector_load %arg13[%swap3A_155] {strides = array<i32>} : memref<256xf32, #tpu.memory_space<vmem>>, vector<16xf32>,
      tpu.vector_store %arg13[%swap3A_155], %scan3A_139#7 {strides = array<i32>} : memref<256xf32, #tpu.memory_space<vmem>>, vector<16xf32>,
      %iota3A = tpu.iota {dimensions = array<i32: 0>} : vector<16xi32>
      %mul3A_157 = arith.constant 16 : i32
      %mul3A_158 = vector.broadcast %mul3A_157 : i32 to vector<16xi32>
      %mul3A_159 = arith.muli %iota3A, %mul3A_158 : vector<16xi32>
      %gather3A = tpu.vector_load_idx %arg13[%mul3A_159] : memref<256xf32, #tpu.memory_space<vmem>>[vector<16xi32>], vector<16xf32>,
      %add3A_160 = arith.constant 1 : i32
      %add3A_161 = vector.broadcast %add3A_160 : i32 to vector<16xi32>
      %add3A_162 = arith.addi %mul3A_159, %add3A_161 : vector<16xi32>
      %gather3A_163 = tpu.vector_load_idx %arg13[%add3A_162] : memref<256xf32, #tpu.memory_space<vmem>>[vector<16xi32>], vector<16xf32>,
      %min3A_164 = arith.minimumf %gather3A, %gather3A_163 : vector<16xf32>
      %add3A_165 = arith.constant 2 : i32
      %add3A_166 = vector.broadcast %add3A_165 : i32 to vector<16xi32>
      %add3A_167 = arith.addi %mul3A_159, %add3A_166 : vector<16xi32>
      %gather3A_168 = tpu.vector_load_idx %arg13[%add3A_167] : memref<256xf32, #tpu.memory_space<vmem>>[vector<16xi32>], vector<16xf32>,
      %min3A_169 = arith.minimumf %min3A_164, %gather3A_168 : vector<16xf32>
      %add3A_170 = arith.constant 3 : i32
      %add3A_171 = vector.broadcast %add3A_170 : i32 to vector<16xi32>
      %add3A_172 = arith.addi %mul3A_159, %add3A_171 : vector<16xi32>
      %gather3A_173 = tpu.vector_load_idx %arg13[%add3A_172] : memref<256xf32, #tpu.memory_space<vmem>>[vector<16xi32>], vector<16xf32>,
      %min3A_174 = arith.minimumf %min3A_169, %gather3A_173 : vector<16xf32>
      %add3A_175 = arith.constant 4 : i32
      %add3A_176 = vector.broadcast %add3A_175 : i32 to vector<16xi32>
      %add3A_177 = arith.addi %mul3A_159, %add3A_176 : vector<16xi32>
      %gather3A_178 = tpu.vector_load_idx %arg13[%add3A_177] : memref<256xf32, #tpu.memory_space<vmem>>[vector<16xi32>], vector<16xf32>,
      %min3A_179 = arith.minimumf %min3A_174, %gather3A_178 : vector<16xf32>
      %add3A_180 = arith.constant 5 : i32
      %add3A_181 = vector.broadcast %add3A_180 : i32 to vector<16xi32>
      %add3A_182 = arith.addi %mul3A_159, %add3A_181 : vector<16xi32>
      %gather3A_183 = tpu.vector_load_idx %arg13[%add3A_182] : memref<256xf32, #tpu.memory_space<vmem>>[vector<16xi32>], vector<16xf32>,
      %min3A_184 = arith.minimumf %min3A_179, %gather3A_183 : vector<16xf32>
      %add3A_185 = arith.constant 6 : i32
      %add3A_186 = vector.broadcast %add3A_185 : i32 to vector<16xi32>
      %add3A_187 = arith.addi %mul3A_159, %add3A_186 : vector<16xi32>
      %gather3A_188 = tpu.vector_load_idx %arg13[%add3A_187] : memref<256xf32, #tpu.memory_space<vmem>>[vector<16xi32>], vector<16xf32>,
      %min3A_189 = arith.minimumf %min3A_184, %gather3A_188 : vector<16xf32>
      %add3A_190 = arith.constant 7 : i32
      %add3A_191 = vector.broadcast %add3A_190 : i32 to vector<16xi32>
      %add3A_192 = arith.addi %mul3A_159, %add3A_191 : vector<16xi32>
      %gather3A_193 = tpu.vector_load_idx %arg13[%add3A_192] : memref<256xf32, #tpu.memory_space<vmem>>[vector<16xi32>], vector<16xf32>,
      %min3A_194 = arith.minimumf %min3A_189, %gather3A_193 : vector<16xf32>
      %add3A_195 = arith.constant 8 : i32
      %add3A_196 = vector.broadcast %add3A_195 : i32 to vector<16xi32>
      %add3A_197 = arith.addi %mul3A_159, %add3A_196 : vector<16xi32>
      %gather3A_198 = tpu.vector_load_idx %arg13[%add3A_197] : memref<256xf32, #tpu.memory_space<vmem>>[vector<16xi32>], vector<16xf32>,
      %min3A_199 = arith.minimumf %min3A_194, %gather3A_198 : vector<16xf32>
      %add3A_200 = arith.constant 9 : i32
      %add3A_201 = vector.broadcast %add3A_200 : i32 to vector<16xi32>
      %add3A_202 = arith.addi %mul3A_159, %add3A_201 : vector<16xi32>
      %gather3A_203 = tpu.vector_load_idx %arg13[%add3A_202] : memref<256xf32, #tpu.memory_space<vmem>>[vector<16xi32>], vector<16xf32>,
      %min3A_204 = arith.minimumf %min3A_199, %gather3A_203 : vector<16xf32>
      %add3A_205 = arith.constant 10 : i32
      %add3A_206 = vector.broadcast %add3A_205 : i32 to vector<16xi32>
      %add3A_207 = arith.addi %mul3A_159, %add3A_206 : vector<16xi32>
      %gather3A_208 = tpu.vector_load_idx %arg13[%add3A_207] : memref<256xf32, #tpu.memory_space<vmem>>[vector<16xi32>], vector<16xf32>,
      %min3A_209 = arith.minimumf %min3A_204, %gather3A_208 : vector<16xf32>
      %add3A_210 = arith.constant 11 : i32
      %add3A_211 = vector.broadcast %add3A_210 : i32 to vector<16xi32>
      %add3A_212 = arith.addi %mul3A_159, %add3A_211 : vector<16xi32>
      %gather3A_213 = tpu.vector_load_idx %arg13[%add3A_212] : memref<256xf32, #tpu.memory_space<vmem>>[vector<16xi32>], vector<16xf32>,
      %min3A_214 = arith.minimumf %min3A_209, %gather3A_213 : vector<16xf32>
      %add3A_215 = arith.constant 12 : i32
      %add3A_216 = vector.broadcast %add3A_215 : i32 to vector<16xi32>
      %add3A_217 = arith.addi %mul3A_159, %add3A_216 : vector<16xi32>
      %gather3A_218 = tpu.vector_load_idx %arg13[%add3A_217] : memref<256xf32, #tpu.memory_space<vmem>>[vector<16xi32>], vector<16xf32>,
      %min3A_219 = arith.minimumf %min3A_214, %gather3A_218 : vector<16xf32>
      %add3A_220 = arith.constant 13 : i32
      %add3A_221 = vector.broadcast %add3A_220 : i32 to vector<16xi32>
      %add3A_222 = arith.addi %mul3A_159, %add3A_221 : vector<16xi32>
      %gather3A_223 = tpu.vector_load_idx %arg13[%add3A_222] : memref<256xf32, #tpu.memory_space<vmem>>[vector<16xi32>], vector<16xf32>,
      %min3A_224 = arith.minimumf %min3A_219, %gather3A_223 : vector<16xf32>
      %add3A_225 = arith.constant 14 : i32
      %add3A_226 = vector.broadcast %add3A_225 : i32 to vector<16xi32>
      %add3A_227 = arith.addi %mul3A_159, %add3A_226 : vector<16xi32>
      %gather3A_228 = tpu.vector_load_idx %arg13[%add3A_227] : memref<256xf32, #tpu.memory_space<vmem>>[vector<16xi32>], vector<16xf32>,
      %min3A_229 = arith.minimumf %min3A_224, %gather3A_228 : vector<16xf32>
      %add3A_230 = arith.constant 15 : i32
      %add3A_231 = vector.broadcast %add3A_230 : i32 to vector<16xi32>
      %add3A_232 = arith.addi %mul3A_159, %add3A_231 : vector<16xi32>
      %gather3A_233 = tpu.vector_load_idx %arg13[%add3A_232] : memref<256xf32, #tpu.memory_space<vmem>>[vector<16xi32>], vector<16xf32>,
      %min3A_234 = arith.minimumf %min3A_229, %gather3A_233 : vector<16xf32>
      %swap3A_235 = arith.index_cast %mul3A_17 : i32 to index
      %swap3A_236 = tpu.vector_load %arg12[%swap3A_235] {strides = array<i32>} : memref<1024xf32, #tpu.memory_space<vmem>>, vector<16xf32>,
      tpu.vector_store %arg12[%swap3A_235], %min3A_234 {strides = array<i32>} : memref<1024xf32, #tpu.memory_space<vmem>>, vector<16xf32>,
    }
    %scan3A_14 = arith.constant 64 : i32
    "tpu.region"() ({
      %run_scoped3A = tpu.sem_alloc : memref<!tpu.dma_semaphore, #tpu.memory_space<semaphore_mem>>
      %dma_start3A = arith.constant 0 : i32
      %dma_start3A_15 = tpu.memref_slice %arg6[%add3A, %dma_start3A] : memref<32x1024xf32, #tpu.memory_space<hbm>> -> memref<1x1024xf32, #tpu.memory_space<hbm>>
      %dma_start3A_16 = tpu.memref_squeeze %dma_start3A_15 : memref<1x1024xf32, #tpu.memory_space<hbm>> -> memref<1024xf32, #tpu.memory_space<hbm>>
      %dma_start3A_17 = arith.constant 0 : i32
      %dma_start3A_18 = tpu.memref_slice %arg6[%add3A, %dma_start3A_17] : memref<32x1024xf32, #tpu.memory_space<hbm>> -> memref<1x1024xf32, #tpu.memory_space<hbm>>
      %dma_start3A_19 = tpu.memref_squeeze %dma_start3A_18 : memref<1x1024xf32, #tpu.memory_space<hbm>> -> memref<1024xf32, #tpu.memory_space<hbm>>
      tpu.enqueue_dma source(%arg12 : memref<1024xf32, #tpu.memory_space<vmem>>) target(%dma_start3A_19 : memref<1024xf32, #tpu.memory_space<hbm>>) target_semaphore(%run_scoped3A : memref<!tpu.dma_semaphore, #tpu.memory_space<semaphore_mem>>)
      %dma_wait3A = arith.constant 0 : i32
      %dma_wait3A_20 = tpu.memref_slice %arg6[%add3A, %dma_wait3A] : memref<32x1024xf32, #tpu.memory_space<hbm>> -> memref<1x1024xf32, #tpu.memory_space<hbm>>
      %dma_wait3A_21 = tpu.memref_squeeze %dma_wait3A_20 : memref<1x1024xf32, #tpu.memory_space<hbm>> -> memref<1024xf32, #tpu.memory_space<hbm>>
      %dma_wait3A_22 = arith.constant 0 : i32
      %dma_wait3A_23 = tpu.memref_slice %arg6[%add3A, %dma_wait3A_22] : memref<32x1024xf32, #tpu.memory_space<hbm>> -> memref<1x1024xf32, #tpu.memory_space<hbm>>
      %dma_wait3A_24 = tpu.memref_squeeze %dma_wait3A_23 : memref<1x1024xf32, #tpu.memory_space<hbm>> -> memref<1024xf32, #tpu.memory_space<hbm>>
      tpu.wait_dma2 semaphore(%run_scoped3A : memref<!tpu.dma_semaphore, #tpu.memory_space<semaphore_mem>>) src(%arg12 : memref<1024xf32, #tpu.memory_space<vmem>>) dst(%dma_wait3A_24 : memref<1024xf32, #tpu.memory_space<hbm>>)
      tpu.yield
    }) : () -> ()
    return
  }
}

module attributes {stable_mosaic.version = 14 : i64} {
  func.func @_tc_scan_body(%arg0: i32, %arg1: memref<1024x2xf32, #tpu.memory_space<vmem>>, %arg2: memref<7168xf32, #tpu.memory_space<vmem>>, %arg3: memref<7168xf32, #tpu.memory_space<vmem>>, %arg4: memref<1024x1xf32, #tpu.memory_space<vmem>>, %arg5: memref<1024x128xf32, #tpu.memory_space<vmem>>) attributes {dimension_semantics = [#tpu.dimension_semantics<arbitrary>], iteration_bounds = array<i64: 11>, scalar_prefetch = 0 : i64, scratch_operands = 1 : i64, tpu.core_type = #tpu.core_type<tc>, window_params = [{pipeline_mode = #tpu.pipeline_mode<synchronous>, transform_indices = @transform_0, window_bounds = array<i64: 1024, 2>}, {transform_indices = @transform_1, window_bounds = array<i64: 7168>}, {transform_indices = @transform_2, window_bounds = array<i64: 7168>}, {pipeline_mode = #tpu.pipeline_mode<synchronous>, transform_indices = @transform_3, window_bounds = array<i64: 1024, 1>}]} {
    %get3A = arith.constant 0 : index
    %get3A_0 = arith.constant 0 : index
    %get3A_1 = vector.load %arg1[%get3A, %get3A_0] : memref<1024x2xf32, #tpu.memory_space<vmem>>, vector<1024x1xf32>
    %get3A_2 = arith.constant 0 : index
    %get3A_3 = arith.constant 1 : index
    %get3A_4 = vector.load %arg1[%get3A_2, %get3A_3] : memref<1024x2xf32, #tpu.memory_space<vmem>>, vector<1024x1xf32>
    %mul3A = arith.constant -2.000000e+00 : f32
    %mul3A_5 = vector.broadcast %mul3A : f32 to vector<1024x1xf32>
    %mul3A_6 = arith.mulf %mul3A_5, %get3A_1 : vector<1024x1xf32>
    %mul3A_7 = arith.constant -2.000000e+00 : f32
    %mul3A_8 = vector.broadcast %mul3A_7 : f32 to vector<1024x1xf32>
    %mul3A_9 = arith.mulf %mul3A_8, %get3A_4 : vector<1024x1xf32>
    %get3A_10 = arith.constant 0 : index
    %get3A_11 = vector.load %arg2[%get3A_10] : memref<7168xf32, #tpu.memory_space<vmem>>, vector<7168xf32>
    %reshape3A = vector.shape_cast %get3A_11 : vector<7168xf32> to vector<1x7168xf32>
    %get3A_12 = arith.constant 0 : index
    %get3A_13 = vector.load %arg3[%get3A_12] : memref<7168xf32, #tpu.memory_space<vmem>>, vector<7168xf32>
    %reshape3A_14 = vector.shape_cast %get3A_13 : vector<7168xf32> to vector<1x7168xf32>
    %mul3A_15 = arith.mulf %reshape3A, %reshape3A : vector<1x7168xf32>
    %mul3A_16 = arith.mulf %reshape3A_14, %reshape3A_14 : vector<1x7168xf32>
    %add3A = arith.addf %mul3A_15, %mul3A_16 : vector<1x7168xf32>
    %broadcast_in_dim3A = arith.constant 1.000000e+00 : f32
    %broadcast_in_dim3A_17 = vector.broadcast %broadcast_in_dim3A : f32 to vector<1024x1xf32>
    %broadcast_in_dim3A_18 = arith.constant 0.000000e+00 : f32
    %broadcast_in_dim3A_19 = vector.broadcast %broadcast_in_dim3A_18 : f32 to vector<1024x5xf32>
    %concatenate3A = tpu.concatenate %mul3A_6, %mul3A_9, %broadcast_in_dim3A_17, %broadcast_in_dim3A_19 in 1 : vector<1024x1xf32>, vector<1024x1xf32>, vector<1024x1xf32>, vector<1024x5xf32> -> vector<1024x8xf32>
    %broadcast_in_dim3A_20 = arith.constant 0.000000e+00 : f32
    %broadcast_in_dim3A_21 = vector.broadcast %broadcast_in_dim3A_20 : f32 to vector<5x7168xf32>
    %concatenate3A_22 = tpu.concatenate %reshape3A, %reshape3A_14, %add3A, %broadcast_in_dim3A_21 in 0 : vector<1x7168xf32>, vector<1x7168xf32>, vector<1x7168xf32>, vector<5x7168xf32> -> vector<8x7168xf32>
    %dot_general3A = arith.constant dense<0.000000e+00> : vector<1024x7168xf32>
    %dot_general3A_23 = tpu.matmul %concatenate3A, %concatenate3A_22, %dot_general3A {dimension_numbers = #tpu.dot_dimension_numbers<[1], [0], [0], [1], [0, 0, 1, 1], [], []>, transpose_lhs_hint = false} : vector<1024x8xf32>, vector<8x7168xf32>, vector<1024x7168xf32> -> vector<1024x7168xf32>
    %slice3A = vector.extract_strided_slice %dot_general3A_23 {offsets = [0, 0], sizes = [1024, 128], strides = [1, 1]} : vector<1024x7168xf32> to vector<1024x128xf32>
    %slice3A_24 = vector.extract_strided_slice %dot_general3A_23 {offsets = [0, 128], sizes = [1024, 128], strides = [1, 1]} : vector<1024x7168xf32> to vector<1024x128xf32>
    %min3A = arith.minimumf %slice3A, %slice3A_24 : vector<1024x128xf32>
    %slice3A_25 = vector.extract_strided_slice %dot_general3A_23 {offsets = [0, 256], sizes = [1024, 128], strides = [1, 1]} : vector<1024x7168xf32> to vector<1024x128xf32>
    %min3A_26 = arith.minimumf %min3A, %slice3A_25 : vector<1024x128xf32>
    %slice3A_27 = vector.extract_strided_slice %dot_general3A_23 {offsets = [0, 384], sizes = [1024, 128], strides = [1, 1]} : vector<1024x7168xf32> to vector<1024x128xf32>
    %min3A_28 = arith.minimumf %min3A_26, %slice3A_27 : vector<1024x128xf32>
    %slice3A_29 = vector.extract_strided_slice %dot_general3A_23 {offsets = [0, 512], sizes = [1024, 128], strides = [1, 1]} : vector<1024x7168xf32> to vector<1024x128xf32>
    %min3A_30 = arith.minimumf %min3A_28, %slice3A_29 : vector<1024x128xf32>
    %slice3A_31 = vector.extract_strided_slice %dot_general3A_23 {offsets = [0, 640], sizes = [1024, 128], strides = [1, 1]} : vector<1024x7168xf32> to vector<1024x128xf32>
    %min3A_32 = arith.minimumf %min3A_30, %slice3A_31 : vector<1024x128xf32>
    %slice3A_33 = vector.extract_strided_slice %dot_general3A_23 {offsets = [0, 768], sizes = [1024, 128], strides = [1, 1]} : vector<1024x7168xf32> to vector<1024x128xf32>
    %min3A_34 = arith.minimumf %min3A_32, %slice3A_33 : vector<1024x128xf32>
    %slice3A_35 = vector.extract_strided_slice %dot_general3A_23 {offsets = [0, 896], sizes = [1024, 128], strides = [1, 1]} : vector<1024x7168xf32> to vector<1024x128xf32>
    %min3A_36 = arith.minimumf %min3A_34, %slice3A_35 : vector<1024x128xf32>
    %slice3A_37 = vector.extract_strided_slice %dot_general3A_23 {offsets = [0, 1024], sizes = [1024, 128], strides = [1, 1]} : vector<1024x7168xf32> to vector<1024x128xf32>
    %min3A_38 = arith.minimumf %min3A_36, %slice3A_37 : vector<1024x128xf32>
    %slice3A_39 = vector.extract_strided_slice %dot_general3A_23 {offsets = [0, 1152], sizes = [1024, 128], strides = [1, 1]} : vector<1024x7168xf32> to vector<1024x128xf32>
    %min3A_40 = arith.minimumf %min3A_38, %slice3A_39 : vector<1024x128xf32>
    %slice3A_41 = vector.extract_strided_slice %dot_general3A_23 {offsets = [0, 1280], sizes = [1024, 128], strides = [1, 1]} : vector<1024x7168xf32> to vector<1024x128xf32>
    %min3A_42 = arith.minimumf %min3A_40, %slice3A_41 : vector<1024x128xf32>
    %slice3A_43 = vector.extract_strided_slice %dot_general3A_23 {offsets = [0, 1408], sizes = [1024, 128], strides = [1, 1]} : vector<1024x7168xf32> to vector<1024x128xf32>
    %min3A_44 = arith.minimumf %min3A_42, %slice3A_43 : vector<1024x128xf32>
    %slice3A_45 = vector.extract_strided_slice %dot_general3A_23 {offsets = [0, 1536], sizes = [1024, 128], strides = [1, 1]} : vector<1024x7168xf32> to vector<1024x128xf32>
    %min3A_46 = arith.minimumf %min3A_44, %slice3A_45 : vector<1024x128xf32>
    %slice3A_47 = vector.extract_strided_slice %dot_general3A_23 {offsets = [0, 1664], sizes = [1024, 128], strides = [1, 1]} : vector<1024x7168xf32> to vector<1024x128xf32>
    %min3A_48 = arith.minimumf %min3A_46, %slice3A_47 : vector<1024x128xf32>
    %slice3A_49 = vector.extract_strided_slice %dot_general3A_23 {offsets = [0, 1792], sizes = [1024, 128], strides = [1, 1]} : vector<1024x7168xf32> to vector<1024x128xf32>
    %min3A_50 = arith.minimumf %min3A_48, %slice3A_49 : vector<1024x128xf32>
    %slice3A_51 = vector.extract_strided_slice %dot_general3A_23 {offsets = [0, 1920], sizes = [1024, 128], strides = [1, 1]} : vector<1024x7168xf32> to vector<1024x128xf32>
    %min3A_52 = arith.minimumf %min3A_50, %slice3A_51 : vector<1024x128xf32>
    %slice3A_53 = vector.extract_strided_slice %dot_general3A_23 {offsets = [0, 2048], sizes = [1024, 128], strides = [1, 1]} : vector<1024x7168xf32> to vector<1024x128xf32>
    %min3A_54 = arith.minimumf %min3A_52, %slice3A_53 : vector<1024x128xf32>
    %slice3A_55 = vector.extract_strided_slice %dot_general3A_23 {offsets = [0, 2176], sizes = [1024, 128], strides = [1, 1]} : vector<1024x7168xf32> to vector<1024x128xf32>
    %min3A_56 = arith.minimumf %min3A_54, %slice3A_55 : vector<1024x128xf32>
    %slice3A_57 = vector.extract_strided_slice %dot_general3A_23 {offsets = [0, 2304], sizes = [1024, 128], strides = [1, 1]} : vector<1024x7168xf32> to vector<1024x128xf32>
    %min3A_58 = arith.minimumf %min3A_56, %slice3A_57 : vector<1024x128xf32>
    %slice3A_59 = vector.extract_strided_slice %dot_general3A_23 {offsets = [0, 2432], sizes = [1024, 128], strides = [1, 1]} : vector<1024x7168xf32> to vector<1024x128xf32>
    %min3A_60 = arith.minimumf %min3A_58, %slice3A_59 : vector<1024x128xf32>
    %slice3A_61 = vector.extract_strided_slice %dot_general3A_23 {offsets = [0, 2560], sizes = [1024, 128], strides = [1, 1]} : vector<1024x7168xf32> to vector<1024x128xf32>
    %min3A_62 = arith.minimumf %min3A_60, %slice3A_61 : vector<1024x128xf32>
    %slice3A_63 = vector.extract_strided_slice %dot_general3A_23 {offsets = [0, 2688], sizes = [1024, 128], strides = [1, 1]} : vector<1024x7168xf32> to vector<1024x128xf32>
    %min3A_64 = arith.minimumf %min3A_62, %slice3A_63 : vector<1024x128xf32>
    %slice3A_65 = vector.extract_strided_slice %dot_general3A_23 {offsets = [0, 2816], sizes = [1024, 128], strides = [1, 1]} : vector<1024x7168xf32> to vector<1024x128xf32>
    %min3A_66 = arith.minimumf %min3A_64, %slice3A_65 : vector<1024x128xf32>
    %slice3A_67 = vector.extract_strided_slice %dot_general3A_23 {offsets = [0, 2944], sizes = [1024, 128], strides = [1, 1]} : vector<1024x7168xf32> to vector<1024x128xf32>
    %min3A_68 = arith.minimumf %min3A_66, %slice3A_67 : vector<1024x128xf32>
    %slice3A_69 = vector.extract_strided_slice %dot_general3A_23 {offsets = [0, 3072], sizes = [1024, 128], strides = [1, 1]} : vector<1024x7168xf32> to vector<1024x128xf32>
    %min3A_70 = arith.minimumf %min3A_68, %slice3A_69 : vector<1024x128xf32>
    %slice3A_71 = vector.extract_strided_slice %dot_general3A_23 {offsets = [0, 3200], sizes = [1024, 128], strides = [1, 1]} : vector<1024x7168xf32> to vector<1024x128xf32>
    %min3A_72 = arith.minimumf %min3A_70, %slice3A_71 : vector<1024x128xf32>
    %slice3A_73 = vector.extract_strided_slice %dot_general3A_23 {offsets = [0, 3328], sizes = [1024, 128], strides = [1, 1]} : vector<1024x7168xf32> to vector<1024x128xf32>
    %min3A_74 = arith.minimumf %min3A_72, %slice3A_73 : vector<1024x128xf32>
    %slice3A_75 = vector.extract_strided_slice %dot_general3A_23 {offsets = [0, 3456], sizes = [1024, 128], strides = [1, 1]} : vector<1024x7168xf32> to vector<1024x128xf32>
    %min3A_76 = arith.minimumf %min3A_74, %slice3A_75 : vector<1024x128xf32>
    %slice3A_77 = vector.extract_strided_slice %dot_general3A_23 {offsets = [0, 3584], sizes = [1024, 128], strides = [1, 1]} : vector<1024x7168xf32> to vector<1024x128xf32>
    %min3A_78 = arith.minimumf %min3A_76, %slice3A_77 : vector<1024x128xf32>
    %slice3A_79 = vector.extract_strided_slice %dot_general3A_23 {offsets = [0, 3712], sizes = [1024, 128], strides = [1, 1]} : vector<1024x7168xf32> to vector<1024x128xf32>
    %min3A_80 = arith.minimumf %min3A_78, %slice3A_79 : vector<1024x128xf32>
    %slice3A_81 = vector.extract_strided_slice %dot_general3A_23 {offsets = [0, 3840], sizes = [1024, 128], strides = [1, 1]} : vector<1024x7168xf32> to vector<1024x128xf32>
    %min3A_82 = arith.minimumf %min3A_80, %slice3A_81 : vector<1024x128xf32>
    %slice3A_83 = vector.extract_strided_slice %dot_general3A_23 {offsets = [0, 3968], sizes = [1024, 128], strides = [1, 1]} : vector<1024x7168xf32> to vector<1024x128xf32>
    %min3A_84 = arith.minimumf %min3A_82, %slice3A_83 : vector<1024x128xf32>
    %slice3A_85 = vector.extract_strided_slice %dot_general3A_23 {offsets = [0, 4096], sizes = [1024, 128], strides = [1, 1]} : vector<1024x7168xf32> to vector<1024x128xf32>
    %min3A_86 = arith.minimumf %min3A_84, %slice3A_85 : vector<1024x128xf32>
    %slice3A_87 = vector.extract_strided_slice %dot_general3A_23 {offsets = [0, 4224], sizes = [1024, 128], strides = [1, 1]} : vector<1024x7168xf32> to vector<1024x128xf32>
    %min3A_88 = arith.minimumf %min3A_86, %slice3A_87 : vector<1024x128xf32>
    %slice3A_89 = vector.extract_strided_slice %dot_general3A_23 {offsets = [0, 4352], sizes = [1024, 128], strides = [1, 1]} : vector<1024x7168xf32> to vector<1024x128xf32>
    %min3A_90 = arith.minimumf %min3A_88, %slice3A_89 : vector<1024x128xf32>
    %slice3A_91 = vector.extract_strided_slice %dot_general3A_23 {offsets = [0, 4480], sizes = [1024, 128], strides = [1, 1]} : vector<1024x7168xf32> to vector<1024x128xf32>
    %min3A_92 = arith.minimumf %min3A_90, %slice3A_91 : vector<1024x128xf32>
    %slice3A_93 = vector.extract_strided_slice %dot_general3A_23 {offsets = [0, 4608], sizes = [1024, 128], strides = [1, 1]} : vector<1024x7168xf32> to vector<1024x128xf32>
    %min3A_94 = arith.minimumf %min3A_92, %slice3A_93 : vector<1024x128xf32>
    %slice3A_95 = vector.extract_strided_slice %dot_general3A_23 {offsets = [0, 4736], sizes = [1024, 128], strides = [1, 1]} : vector<1024x7168xf32> to vector<1024x128xf32>
    %min3A_96 = arith.minimumf %min3A_94, %slice3A_95 : vector<1024x128xf32>
    %slice3A_97 = vector.extract_strided_slice %dot_general3A_23 {offsets = [0, 4864], sizes = [1024, 128], strides = [1, 1]} : vector<1024x7168xf32> to vector<1024x128xf32>
    %min3A_98 = arith.minimumf %min3A_96, %slice3A_97 : vector<1024x128xf32>
    %slice3A_99 = vector.extract_strided_slice %dot_general3A_23 {offsets = [0, 4992], sizes = [1024, 128], strides = [1, 1]} : vector<1024x7168xf32> to vector<1024x128xf32>
    %min3A_100 = arith.minimumf %min3A_98, %slice3A_99 : vector<1024x128xf32>
    %slice3A_101 = vector.extract_strided_slice %dot_general3A_23 {offsets = [0, 5120], sizes = [1024, 128], strides = [1, 1]} : vector<1024x7168xf32> to vector<1024x128xf32>
    %min3A_102 = arith.minimumf %min3A_100, %slice3A_101 : vector<1024x128xf32>
    %slice3A_103 = vector.extract_strided_slice %dot_general3A_23 {offsets = [0, 5248], sizes = [1024, 128], strides = [1, 1]} : vector<1024x7168xf32> to vector<1024x128xf32>
    %min3A_104 = arith.minimumf %min3A_102, %slice3A_103 : vector<1024x128xf32>
    %slice3A_105 = vector.extract_strided_slice %dot_general3A_23 {offsets = [0, 5376], sizes = [1024, 128], strides = [1, 1]} : vector<1024x7168xf32> to vector<1024x128xf32>
    %min3A_106 = arith.minimumf %min3A_104, %slice3A_105 : vector<1024x128xf32>
    %slice3A_107 = vector.extract_strided_slice %dot_general3A_23 {offsets = [0, 5504], sizes = [1024, 128], strides = [1, 1]} : vector<1024x7168xf32> to vector<1024x128xf32>
    %min3A_108 = arith.minimumf %min3A_106, %slice3A_107 : vector<1024x128xf32>
    %slice3A_109 = vector.extract_strided_slice %dot_general3A_23 {offsets = [0, 5632], sizes = [1024, 128], strides = [1, 1]} : vector<1024x7168xf32> to vector<1024x128xf32>
    %min3A_110 = arith.minimumf %min3A_108, %slice3A_109 : vector<1024x128xf32>
    %slice3A_111 = vector.extract_strided_slice %dot_general3A_23 {offsets = [0, 5760], sizes = [1024, 128], strides = [1, 1]} : vector<1024x7168xf32> to vector<1024x128xf32>
    %min3A_112 = arith.minimumf %min3A_110, %slice3A_111 : vector<1024x128xf32>
    %slice3A_113 = vector.extract_strided_slice %dot_general3A_23 {offsets = [0, 5888], sizes = [1024, 128], strides = [1, 1]} : vector<1024x7168xf32> to vector<1024x128xf32>
    %min3A_114 = arith.minimumf %min3A_112, %slice3A_113 : vector<1024x128xf32>
    %slice3A_115 = vector.extract_strided_slice %dot_general3A_23 {offsets = [0, 6016], sizes = [1024, 128], strides = [1, 1]} : vector<1024x7168xf32> to vector<1024x128xf32>
    %min3A_116 = arith.minimumf %min3A_114, %slice3A_115 : vector<1024x128xf32>
    %slice3A_117 = vector.extract_strided_slice %dot_general3A_23 {offsets = [0, 6144], sizes = [1024, 128], strides = [1, 1]} : vector<1024x7168xf32> to vector<1024x128xf32>
    %min3A_118 = arith.minimumf %min3A_116, %slice3A_117 : vector<1024x128xf32>
    %slice3A_119 = vector.extract_strided_slice %dot_general3A_23 {offsets = [0, 6272], sizes = [1024, 128], strides = [1, 1]} : vector<1024x7168xf32> to vector<1024x128xf32>
    %min3A_120 = arith.minimumf %min3A_118, %slice3A_119 : vector<1024x128xf32>
    %slice3A_121 = vector.extract_strided_slice %dot_general3A_23 {offsets = [0, 6400], sizes = [1024, 128], strides = [1, 1]} : vector<1024x7168xf32> to vector<1024x128xf32>
    %min3A_122 = arith.minimumf %min3A_120, %slice3A_121 : vector<1024x128xf32>
    %slice3A_123 = vector.extract_strided_slice %dot_general3A_23 {offsets = [0, 6528], sizes = [1024, 128], strides = [1, 1]} : vector<1024x7168xf32> to vector<1024x128xf32>
    %min3A_124 = arith.minimumf %min3A_122, %slice3A_123 : vector<1024x128xf32>
    %slice3A_125 = vector.extract_strided_slice %dot_general3A_23 {offsets = [0, 6656], sizes = [1024, 128], strides = [1, 1]} : vector<1024x7168xf32> to vector<1024x128xf32>
    %min3A_126 = arith.minimumf %min3A_124, %slice3A_125 : vector<1024x128xf32>
    %slice3A_127 = vector.extract_strided_slice %dot_general3A_23 {offsets = [0, 6784], sizes = [1024, 128], strides = [1, 1]} : vector<1024x7168xf32> to vector<1024x128xf32>
    %min3A_128 = arith.minimumf %min3A_126, %slice3A_127 : vector<1024x128xf32>
    %slice3A_129 = vector.extract_strided_slice %dot_general3A_23 {offsets = [0, 6912], sizes = [1024, 128], strides = [1, 1]} : vector<1024x7168xf32> to vector<1024x128xf32>
    %min3A_130 = arith.minimumf %min3A_128, %slice3A_129 : vector<1024x128xf32>
    %slice3A_131 = vector.extract_strided_slice %dot_general3A_23 {offsets = [0, 7040], sizes = [1024, 128], strides = [1, 1]} : vector<1024x7168xf32> to vector<1024x128xf32>
    %min3A_132 = arith.minimumf %min3A_130, %slice3A_131 : vector<1024x128xf32>
    %eq3A = arith.constant 0 : i32
    %eq3A_133 = arith.cmpi eq, %arg0, %eq3A : i32
    %convert_element_type3A = arith.extui %eq3A_133 : i1 to i32
    %cond3A = arith.constant 0 : i32
    %cond3A_134 = arith.cmpi ne, %convert_element_type3A, %cond3A : i32
    scf.if %cond3A_134 {
      %swap3A = arith.constant 0 : index
      %swap3A_144 = arith.constant 0 : index
      %swap3A_145 = vector.load %arg5[%swap3A, %swap3A_144] : memref<1024x128xf32, #tpu.memory_space<vmem>>, vector<1024x128xf32>
      tpu.vector_store %arg5[%swap3A, %swap3A_144], %min3A_132 {strides = array<i32>} : memref<1024x128xf32, #tpu.memory_space<vmem>>, vector<1024x128xf32>,
    } else {
    }
    %gt3A = arith.constant 0 : i32
    %gt3A_135 = arith.cmpi sgt, %arg0, %gt3A : i32
    %convert_element_type3A_136 = arith.extui %gt3A_135 : i1 to i32
    %cond3A_137 = arith.constant 0 : i32
    %cond3A_138 = arith.cmpi ne, %convert_element_type3A_136, %cond3A_137 : i32
    scf.if %cond3A_138 {
      %get3A_144 = arith.constant 0 : index
      %get3A_145 = arith.constant 0 : index
      %get3A_146 = vector.load %arg5[%get3A_144, %get3A_145] : memref<1024x128xf32, #tpu.memory_space<vmem>>, vector<1024x128xf32>
      %min3A_147 = arith.minimumf %get3A_146, %min3A_132 : vector<1024x128xf32>
      %swap3A = arith.constant 0 : index
      %swap3A_148 = arith.constant 0 : index
      %swap3A_149 = vector.load %arg5[%swap3A, %swap3A_148] : memref<1024x128xf32, #tpu.memory_space<vmem>>, vector<1024x128xf32>
      tpu.vector_store %arg5[%swap3A, %swap3A_148], %min3A_147 {strides = array<i32>} : memref<1024x128xf32, #tpu.memory_space<vmem>>, vector<1024x128xf32>,
    } else {
    }
    %eq3A_139 = arith.constant 10 : i32
    %eq3A_140 = arith.cmpi eq, %arg0, %eq3A_139 : i32
    %convert_element_type3A_141 = arith.extui %eq3A_140 : i1 to i32
    %cond3A_142 = arith.constant 0 : i32
    %cond3A_143 = arith.cmpi ne, %convert_element_type3A_141, %cond3A_142 : i32
    scf.if %cond3A_143 {
      %get3A_144 = arith.constant 0 : index
      %get3A_145 = arith.constant 0 : index
      %get3A_146 = vector.load %arg5[%get3A_144, %get3A_145] : memref<1024x128xf32, #tpu.memory_space<vmem>>, vector<1024x128xf32>
      %reduce_min3A = arith.constant dense<0x7F800000> : vector<1024xf32>
      %reduce_min3A_147 = vector.multi_reduction <minimumf>, %get3A_146, %reduce_min3A [1] : vector<1024x128xf32> to vector<1024xf32>
      %broadcast_in_dim3A_148 = vector.shape_cast %reduce_min3A_147 : vector<1024xf32> to vector<1024x1xf32>
      %swap3A = arith.constant 0 : index
      %swap3A_149 = arith.constant 0 : index
      %swap3A_150 = vector.load %arg4[%swap3A, %swap3A_149] : memref<1024x1xf32, #tpu.memory_space<vmem>>, vector<1024x1xf32>
      tpu.vector_store %arg4[%swap3A, %swap3A_149], %broadcast_in_dim3A_148 {strides = array<i32>} : memref<1024x1xf32, #tpu.memory_space<vmem>>, vector<1024x1xf32>,
    } else {
    }
    return
  }
  func.func @transform_0(%arg0: i32) -> (i32, i32) {
    %c0_i32 = arith.constant 0 : i32
    %c0_i32_0 = arith.constant 0 : i32
    %c0_i32_1 = arith.constant 0 : i32
    return %c0_i32, %c0_i32_0 : i32, i32
  }
  func.func @transform_1(%arg0: i32) -> i32 {
    %c0_i32 = arith.constant 0 : i32
    return %arg0 : i32
  }
  func.func @transform_2(%arg0: i32) -> i32 {
    %c0_i32 = arith.constant 0 : i32
    return %arg0 : i32
  }
  func.func @transform_3(%arg0: i32) -> (i32, i32) {
    %c0_i32 = arith.constant 0 : i32
    %c0_i32_0 = arith.constant 0 : i32
    %c0_i32_1 = arith.constant 0 : i32
    return %c0_i32, %c0_i32_0 : i32, i32
  }
}

module attributes {stable_mosaic.version = 14 : i64} {
  func.func @_merge_body(%arg0: memref<1024x1xf32, #tpu.memory_space<vmem>>, %arg1: memref<32x1024xf32, #tpu.memory_space<vmem>>, %arg2: memref<1024x2xf32, #tpu.memory_space<vmem>>, %arg3: memref<1024x128xf32, #tpu.memory_space<vmem>>, %arg4: memref<129x64xf32, #tpu.memory_space<vmem>>, %arg5: memref<1x64xf32, #tpu.memory_space<vmem>>, %arg6: memref<64x1xf32, #tpu.memory_space<vmem>>, %arg7: memref<1x1xf32, #tpu.memory_space<vmem>>, %arg8: memref<1024x1xf32, #tpu.memory_space<vmem>>) attributes {dimension_semantics = [], scalar_prefetch = 0 : i64, scratch_operands = 0 : i64, tpu.core_type = #tpu.core_type<tc>} {
    %get3A = arith.constant 0 : index
    %get3A_0 = arith.constant 0 : index
    %get3A_1 = vector.load %arg2[%get3A, %get3A_0] : memref<1024x2xf32, #tpu.memory_space<vmem>>, vector<1024x1xf32>
    %get3A_2 = arith.constant 0 : index
    %get3A_3 = arith.constant 1 : index
    %get3A_4 = vector.load %arg2[%get3A_2, %get3A_3] : memref<1024x2xf32, #tpu.memory_space<vmem>>, vector<1024x1xf32>
    %mul3A = arith.mulf %get3A_1, %get3A_1 : vector<1024x1xf32>
    %mul3A_5 = arith.mulf %get3A_4, %get3A_4 : vector<1024x1xf32>
    %add3A = arith.addf %mul3A, %mul3A_5 : vector<1024x1xf32>
    %get3A_6 = arith.constant 0 : index
    %get3A_7 = arith.constant 0 : index
    %get3A_8 = vector.load %arg1[%get3A_6, %get3A_7] : memref<32x1024xf32, #tpu.memory_space<vmem>>, vector<32x1024xf32>
    %transpose3A = tpu.transpose %get3A_8, [1, 0] : vector<32x1024xf32> -> vector<1024x32xf32>
    %reduce_min3A = arith.constant dense<0x7F800000> : vector<1024xf32>
    %reduce_min3A_9 = vector.multi_reduction <minimumf>, %transpose3A, %reduce_min3A [1] : vector<1024x32xf32> to vector<1024xf32>
    %broadcast_in_dim3A = vector.shape_cast %reduce_min3A_9 : vector<1024xf32> to vector<1024x1xf32>
    %get3A_10 = arith.constant 0 : index
    %get3A_11 = arith.constant 0 : index
    %get3A_12 = vector.load %arg0[%get3A_10, %get3A_11] : memref<1024x1xf32, #tpu.memory_space<vmem>>, vector<1024x1xf32>
    %min3A = arith.minimumf %get3A_12, %broadcast_in_dim3A : vector<1024x1xf32>
    %add3A_13 = arith.addf %min3A, %add3A : vector<1024x1xf32>
    %max3A = arith.constant 9.99999996E-13 : f32
    %max3A_14 = vector.broadcast %max3A : f32 to vector<1024x1xf32>
    %max3A_15 = arith.maximumf %add3A_13, %max3A_14 : vector<1024x1xf32>
    %sqrt3A = math.sqrt %max3A_15 : vector<1024x1xf32>
    %get3A_16 = arith.constant 0 : index
    %get3A_17 = arith.constant 0 : index
    %get3A_18 = vector.load %arg3[%get3A_16, %get3A_17] : memref<1024x128xf32, #tpu.memory_space<vmem>>, vector<1024x128xf32>
    %get3A_19 = arith.constant 0 : index
    %get3A_20 = arith.constant 0 : index
    %get3A_21 = vector.load %arg4[%get3A_19, %get3A_20] : memref<129x64xf32, #tpu.memory_space<vmem>>, vector<128x64xf32>
    %dot_general3A = arith.constant dense<0.000000e+00> : vector<1024x64xf32>
    %dot_general3A_22 = tpu.matmul %get3A_18, %get3A_21, %dot_general3A {dimension_numbers = #tpu.dot_dimension_numbers<[1], [0], [0], [1], [0, 0, 1, 1], [], []>, transpose_lhs_hint = false} : vector<1024x128xf32>, vector<128x64xf32>, vector<1024x64xf32> -> vector<1024x64xf32>
    %get3A_23 = arith.constant 128 : index
    %get3A_24 = arith.constant 0 : index
    %get3A_25 = vector.load %arg4[%get3A_23, %get3A_24] : memref<129x64xf32, #tpu.memory_space<vmem>>, vector<1x64xf32>
    %mul3A_26 = vector.broadcast %sqrt3A : vector<1024x1xf32> to vector<1024x64xf32>
    %mul3A_27 = vector.broadcast %get3A_25 : vector<1x64xf32> to vector<1024x64xf32>
    %mul3A_28 = arith.mulf %mul3A_26, %mul3A_27 : vector<1024x64xf32>
    %add3A_29 = arith.addf %dot_general3A_22, %mul3A_28 : vector<1024x64xf32>
    %get3A_30 = arith.constant 0 : index
    %get3A_31 = arith.constant 0 : index
    %get3A_32 = vector.load %arg5[%get3A_30, %get3A_31] : memref<1x64xf32, #tpu.memory_space<vmem>>, vector<1x64xf32>
    %add3A_33 = vector.broadcast %get3A_32 : vector<1x64xf32> to vector<1024x64xf32>
    %add3A_34 = arith.addf %add3A_29, %add3A_33 : vector<1024x64xf32>
    %max3A_35 = arith.constant 0.000000e+00 : f32
    %max3A_36 = vector.broadcast %max3A_35 : f32 to vector<1024x64xf32>
    %max3A_37 = arith.maximumf %add3A_34, %max3A_36 : vector<1024x64xf32>
    %get3A_38 = arith.constant 0 : index
    %get3A_39 = arith.constant 0 : index
    %get3A_40 = vector.load %arg6[%get3A_38, %get3A_39] : memref<64x1xf32, #tpu.memory_space<vmem>>, vector<64x1xf32>
    %dot_general3A_41 = arith.constant dense<0.000000e+00> : vector<1024x1xf32>
    %dot_general3A_42 = tpu.matmul %max3A_37, %get3A_40, %dot_general3A_41 {dimension_numbers = #tpu.dot_dimension_numbers<[1], [0], [0], [1], [0, 0, 1, 1], [], []>, transpose_lhs_hint = false} : vector<1024x64xf32>, vector<64x1xf32>, vector<1024x1xf32> -> vector<1024x1xf32>
    %get3A_43 = arith.constant 0 : index
    %get3A_44 = arith.constant 0 : index
    %get3A_45 = vector.load %arg7[%get3A_43, %get3A_44] : memref<1x1xf32, #tpu.memory_space<vmem>>, vector<1x1xf32>
    %add3A_46 = vector.broadcast %get3A_45 : vector<1x1xf32> to vector<1024x1xf32>
    %add3A_47 = arith.addf %dot_general3A_42, %add3A_46 : vector<1024x1xf32>
    %logistic3A = arith.negf %add3A_47 : vector<1024x1xf32>
    %logistic3A_48 = math.exp %logistic3A : vector<1024x1xf32>
    %logistic3A_49 = arith.constant 1.000000e+00 : f32
    %logistic3A_50 = vector.broadcast %logistic3A_49 : f32 to vector<1024x1xf32>
    %logistic3A_51 = arith.addf %logistic3A_50, %logistic3A_48 : vector<1024x1xf32>
    %logistic3A_52 = arith.divf %logistic3A_50, %logistic3A_51 : vector<1024x1xf32>
    %swap3A = arith.constant 0 : index
    %swap3A_53 = arith.constant 0 : index
    %swap3A_54 = vector.load %arg8[%swap3A, %swap3A_53] : memref<1024x1xf32, #tpu.memory_space<vmem>>, vector<1024x1xf32>
    tpu.vector_store %arg8[%swap3A, %swap3A_53], %logistic3A_52 {strides = array<i32>} : memref<1024x1xf32, #tpu.memory_space<vmem>>, vector<1024x1xf32>,
    return
  }
}

</mosaic_0001>

<sc_bundles>
// kernel: kernel.5.cloned.1.call-start
scs
__scs_entry_jumppad:
0x0: {  	(pc) =	sbr.rel $0x88, $3  }
0x1: {  	(tag) =	ssettag $0x0;
	lr =	simm.s32 $0x1  }
0x2: {  	[smem:$0x3F9A] =	sst lr;
	_ =	strace $0xD0000000  }
0x3: {  	_ = 	snop  }
0x4: {  	_ = 	snop  }
0x5: {  	_ = 	snop  }
0x6: {  	_ = 	snop  }
0x7: {  	_ = 	snop  }
__scs_overlays_trampoline_lowered:
0x8: {  	[smem:$0x3FA9] =	sst s0  }
0x9: {  	[smem:$0x3FAA] =	sst s1  }
0xa: {  	[smem:$0x3FAB] =	sst s2  }
0xb: {  	[smem:$0x3FAC] =	sst s3  }
0xc: {  	[smem:$0x3FAD] =	sst s4  }
0xd: {  	[smem:$0x3FAE] =	sst s5  }
0xe: {  	[smem:$0x3FAF] =	sst s6  }
0xf: {  	[smem:$0x3FB0] =	sst s7  }
0x10: {  	[smem:$0x3FB1] =	sst s8  }
0x11: {  	[smem:$0x3FB2] =	sst s9;
	s0 =	simm.s32 @!p0 $0x0  }
0x12: {  	s1 =	sld [smem:$0x3F98];
	s0 =	simm.s32 @p0 $0x1  }
0x13: {  	[smem:$0x3FB3] =	sst s0;
	s0 =	simm.s32 @!p1 $0x0  }
0x14: {  	s2 =	sld [smem:$0x3F97];
	s0 =	simm.s32 @p1 $0x1  }
0x15: {  	[smem:$0x3FB4] =	sst s0;
	s0 =	simm.s32 @!p2 $0x0  }
0x16: {  	s3 =	sld [smem:$0x3FDB];
	s0 =	simm.s32 @p2 $0x1  }
0x17: {  	s4 =	simm.s32 $0x1BF5;
	[smem:$0x3FB6] =	sst s0  }
0x18: {  	s0 =	sld [smem:$0x3F99];
	_ =	swait.ge [sflag:s4], $0x0  }
0x19: {  	s7 =	sld [smem:$0x3F9A]  }
0x1a: {  	s8 =	sadd.s32 $0xFFFFE003, lr  }
0x1b: {  	s9 =	sadd.s32 $0xFFFFFEF7, lr;
	s5 =	simm.s32 $0xFFFFFFFF;
	p2 =	slt.u32 s8, $0xFFFFF086  }
0x1c: {  	p1 =	slt.u32 s9, $0xF7A;
	s5 =	simm.s32 @!p2 $0x0  }
0x1d: {  	s5 =	simm.s32 @p1 $0x1;
	p0 =	seq.s32 s7, s2  }
0x1e: {  	s7 =	smul.u32 @!p0 $0xF7A, s2;
	p2 =	seq.s32 @!p0 s5, $0x0  }
0x1f: {  	s9 =	smul.u32 $0xF7A, s1;
	s8 =	simm.s32 @!p0 $0x1BF5;
	p2 =	por !p2, p0  }
0x20: {  	[sflag:s8] =	ssyncset.s32 @!p0 $0xFFFFF086;
	s6 =	sadd.s32 @!p0 s3, s7;
	s7 =	simm.s32 @!p0 $0x108  }
0x21: {  	s3 =	sadd.s32 s3, s9;
	s6 =	sadd.s32 @!p0 $0x88, s6;
	s7 =	simm.s32 @p2 $0x1082  }
0x22: {  	[simem:s7], [sflag:s8] =	dma.local @!p0 [hbm:s6], $0xF7A  }
0x23: {  	s9 =	sor.u32 $0xD0000000, s2;
	s6 =	simm.s32 $0x108;
	_ =	swait.ge @!p0 [sflag:s8], $0x0  }
0x24: {  	s3 =	sadd.s32 $0x88, s3;
	s6 =	simm.s32 @!p1 $0x1082;
	[sflag:s4] =	ssyncset.s32 $0xFFFFF086  }
0x25: {  	[simem:s6], [sflag:s4] =	dma.local [hbm:s3], $0xF7A  }
0x26: {  	[smem:$0x3F9A] =	sst s1;
	(tag) =	ssettag s2;
	_ =	strace s9  }
0x27: {  	s1 =	sld [smem:$0x3FAA]  }
0x28: {  	s2 =	sld [smem:$0x3FAB]  }
0x29: {  	s4 =	sld [smem:$0x3FAD]  }
0x2a: {  	p0 =	seq.s32 s5, $0x0;
	s5 =	sld [smem:$0x3FAE]  }
0x2b: {  	s6 =	sld [smem:$0x3FAF]  }
0x2c: {  	s7 =	sld [smem:$0x3FB0]  }
0x2d: {  	s3 =	simm.s32 $0x108;
	s8 =	sld [smem:$0x3FB1]  }
0x2e: {  	s3 =	simm.s32 @!p0 $0x1082;
	s9 =	sld [smem:$0x3FB2]  }
0x2f: {  	lr =	sadd.s32 s0, s3;
	s0 =	sld [smem:$0x3FA9]  }
0x30: {  	s3 =	sld [smem:$0x3FAC]  }
0x31: {  	[smem:$0x3FB5] =	sst s10  }
0x32: {  	s10 =	sld [smem:$0x3FB3];
	_ =	sdelay $0x3  }
0x33: {  	p0 =	seq.s32 s10, $0x1;
	s10 =	sld [smem:$0x3FB5];
	_ =	sdelay $0x3  }
0x34: {  	[smem:$0x3FB5] =	sst s10  }
0x35: {  	s10 =	sld [smem:$0x3FB4];
	_ =	sdelay $0x3  }
0x36: {  	p1 =	seq.s32 s10, $0x1;
	s10 =	sld [smem:$0x3FB5];
	_ =	sdelay $0x3  }
0x37: {  	[smem:$0x3FB5] =	sst s10  }
0x38: {  	s10 =	sld [smem:$0x3FB6]  }
0x39: {  	_ = 	snop;
	(pc) =	sbr.ind lr, $3  }
0x3a: {  	_ = 	snop  }
0x3b: {  	_ = 	snop  }
0x3c: {  	p2 =	seq.s32 s10, $0x1;
	s10 =	sld [smem:$0x3FB5]  }
0x3d: {  	_ =	shalt  }
0x3e: {  	_ =	shalt  }
0x3f: {  	_ =	shalt  }
0x40: {  	_ =	shalt  }
0x41: {  	_ =	shalt  }
0x42: {  	_ =	shalt  }
0x43: {  	_ =	shalt  }
0x44: {  	_ =	shalt  }
0x45: {  	_ =	shalt  }
0x46: {  	_ =	shalt  }
0x47: {  	_ =	shalt  }
0x48: {  	_ =	shalt  }
0x49: {  	_ =	shalt  }
0x4a: {  	_ =	shalt  }
0x4b: {  	_ =	shalt  }
0x4c: {  	_ =	shalt  }
0x4d: {  	_ =	shalt  }
0x4e: {  	_ =	shalt  }
0x4f: {  	_ =	shalt  }
0x50: {  	_ =	shalt  }
0x51: {  	_ =	shalt  }
0x52: {  	_ =	shalt  }
0x53: {  	_ =	shalt  }
0x54: {  	_ =	shalt  }
0x55: {  	_ =	shalt  }
0x56: {  	_ =	shalt  }
0x57: {  	_ =	shalt  }
0x58: {  	_ =	shalt  }
0x59: {  	_ =	shalt  }
0x5a: {  	_ =	shalt  }
0x5b: {  	_ =	shalt  }
0x5c: {  	_ =	shalt  }
0x5d: {  	_ =	shalt  }
0x5e: {  	_ =	shalt  }
0x5f: {  	_ =	shalt  }
0x60: {  	_ =	shalt  }
0x61: {  	_ =	shalt  }
0x62: {  	_ =	shalt  }
0x63: {  	_ =	shalt  }
0x64: {  	_ =	shalt  }
0x65: {  	_ =	shalt  }
0x66: {  	_ =	shalt  }
0x67: {  	_ =	shalt  }
0x68: {  	_ =	shalt  }
0x69: {  	_ =	shalt  }
0x6a: {  	_ =	shalt  }
0x6b: {  	_ =	shalt  }
0x6c: {  	_ =	shalt  }
0x6d: {  	_ =	shalt  }
0x6e: {  	_ =	shalt  }
0x6f: {  	_ =	shalt  }
0x70: {  	_ =	shalt  }
0x71: {  	_ =	shalt  }
0x72: {  	_ =	shalt  }
0x73: {  	_ =	shalt  }
0x74: {  	_ =	shalt  }
0x75: {  	_ =	shalt  }
0x76: {  	_ =	shalt  }
0x77: {  	_ =	shalt  }
0x78: {  	_ =	shalt  }
0x79: {  	_ =	shalt  }
0x7a: {  	_ =	shalt  }
0x7b: {  	_ =	shalt  }
0x7c: {  	_ =	shalt  }
0x7d: {  	_ =	shalt  }
0x7e: {  	_ =	shalt  }
0x7f: {  	_ =	shalt  }
0x80: {  	_ =	shalt  }
0x81: {  	_ =	shalt  }
0x82: {  	_ =	shalt  }
0x83: {  	_ =	shalt  }
0x84: {  	_ =	shalt  }
0x85: {  	_ =	shalt  }
0x86: {  	_ =	shalt  }
0x87: {  	_ =	shalt  }
.Lfunc_end0:
.L_simem_size_0:
called_computation_lowered:
.L_overlay_start_0:
0x88: {  	s2 =	sld [smem:$0x3FD9]  }
0x89: {  	s3 =	sld [smem:$0x3FFE];
	_ =	sdelay $0x1  }
0x8a: {  	s1 =	srdreg.scid  }
0x8b: {  	s0 =	sand.u32 $0x1, s1  }
0x8c: {  	s17 =	sshll.u32 s0, $0xA;
	s2 =	sadd.s32 s3, s2  }
0x8d: {  	s2 =	sadd.s32 s2, s17  }
0x8e: {  	[smem:$0x3FC1] =	sst s2  }
0x8f: {  	_ = 	snop  }
0x90: {  	s2 =	sld [smem:$0x3FD0];
	(tm) =	ssettm $0x1  }
0x91: {  	s18 =	sld [smem:$0x3FFB];
	_ =	sdelay $0x3  }
0x92: {  	_ =	strace s18  }
0x93: {  	s3 =	sld [smem:$0x3FFC];
	_ =	sdelay $0x3  }
0x94: {  	_ =	strace s3  }
0x95: {  	s3 =	sld [smem:$0x3FFD];
	_ =	sdelay $0x3  }
0x96: {  	_ =	strace s3  }
0x97: {  	_ =	strace $0x8FFFFFFF  }
0x98: {  	s19 =	sld [smem:$0x3FDB];
	_ =	sdelay $0x1  }
0x99: {  	s4 =	simm.s32 $_scs_section_size  }
0x9a: {  	s5 =	simm.s32 $_size__tile_overlayer_lowered;
	s6 =	simm.s32 $_tile_overlayer_lowered  }
0x9b: {  	s22 =	simm.s32 $0x1BFF;
	s21 =	sshll.u32 s6, $0x1;
	s3 =	sadd.s32 s4, s19  }
0x9c: {  	s7 =	simm.s32 $0x0;
	s20 =	sshll.u32 s5, $0x1;
	s5 =	sadd.s32 s21, s3  }
0x9d: {  	[timem:s7], [sflag:s22] =	dma.local [hbm:s5], s20  }
0x9e: {  	_ =	swait.ge [sflag:s22], s20  }
0x9f: {  	s4 =	ssub.s32 $0x0, s20;
	[sflag:s22] =	ssyncset.done $0x0  }
0xa0: {  	[sflag:s22] =	ssyncadd.s32 s4;
	_ =	sdelay $0x1  }
0xa1: {  	s23 =	simm.s32 $0x1B8B  }
0xa2: {  	_ =	swait.ge [sflag:s23], $0x1  }
0xa3: {  	[sflag:s23] =	ssyncset.done $0x0  }
0xa4: {  	s25 =	simm.s32 $0x1B8E;
	s24 =	sld [smem:$0x3FFE];
	[sflag:s23] =	ssyncadd.s32 $0xFFFFFFFF  }
0xa5: {  	s26 =	simm.s32 $execute0_lowered;
	[smem:$0x3FD2] =	sst s25  }
0xa6: {  	s5 =	sshll.u32 s26, $0x1;
	_ =	strace $0x80000046;
	[dreg:$0x1] =	wrdreg $0xFFFFFFFF  }
0xa7: {  	s28 =	simm.s32 $_size_execute0_lowered;
	s3 =	sadd.s32 s3, s5;
	[dreg:$0x0] =	wrdreg $0x0  }
0xa8: {  	s5 =	sshll.u32 s28, $0x1;
	[dreg:$0x2] =	wrdreg s3  }
0xa9: {  	[dreg:$0x3] =	wrdreg s5  }
0xaa: {  	[dreg:$0x4] =	wrdreg $0xC0  }
0xab: {  	_ =	task [dreg:s7], $0x5FFFF  }
0xac: {  	[dreg:$0x1] =	wrdreg $0xFFFFFFFF  }
0xad: {  	[dreg:$0x0] =	wrdreg $0x60  }
0xae: {  	[dreg:$0x2] =	wrdreg s24  }
0xaf: {  	[dreg:$0x3] =	wrdreg s2  }
0xb0: {  	[dreg:$0x4] =	wrdreg $0x9  }
0xb1: {  	_ =	task.clear_ibuf [dreg:s7], $0x5FFFF;
	_ =	strace $0x90000046  }
0xb2: {  	s29 =	simm.s32 $0x9;
	_ =	strace $0x80000048  }
0xb3: {  	_ =	swait.ge [sflag:s29], $0x1  }
0xb4: {  	[sflag:s29] =	ssyncadd.s32 $0xFFFFFFFF  }
0xb5: {  	_ =	strace $0x90000048  }
0xb6: {  	_ =	sfence  }
0xb7: {  	s30 =	sld [smem:$0x0];
	_ =	sdelay $0x2  }
0xb8: {  	s31 =	sshll.u32 s1, $0xD;
	s1 =	sshrl.u32 s1, $0x2  }
0xb9: {  	s3 =	sand.u32 $0x4000, s31;
	s1 =	sadd.s32 s1, s30  }
0xba: {  	s0 =	sor.u32 s3, s0;
	s1 =	sshll.u32 s1, $0x11  }
0xbb: {  	s0 =	sor.u32 s1, s0  }
0xbc: {  	s0 =	sadd.s32 $0x8F2B, s0  }
0xbd: {  	[sflag:s0] =	ssyncadd.remote.s32 $0x1  }
0xbe: {  	_ =	sfence.sel $0xFFFF  }
0xbf: {  	[dreg:$0x0] =	wrdreg $0xFFFFFFFF;
	(pc) =	sbr.abs _section_cstart, $3  }
0xc0: {  	[dreg:$0x1] =	wrdreg $0xFFFFFFFF  }
0xc1: {  	_ =	task.clear_ibuf [dreg:s7], $0x2FFFF;
	_ =	strace $0x9FFFFFFF  }
0xc2: {  	(tm) =	ssettm $0x7FFFFFFF  }
0xc3: {  	_ =	shalt  }
tec
execute0_lowered:
.L_overlay_start_1:
0x0: {  	(tag) =	ssettag $0x1  }
0x1: {  	s1 =	srdreg.scid;
	s6 =	rddreg [dreg:$0x0]  }
0x2: {  	s0 =	stileid.u32;
	s2 =	rddreg [dreg:$0x1];
	s3 =	simm.s32 $0x0  }
0x3: {  	s10 =	simm.s32 $0x300;
	s11 =	simm.s32 $0x900;
	s12 =	simm.s32 $0xD00  }
0x4: {  	s13 =	simm.s32 $0x1500;
	s5 =	sand.u32 $0x1, s1;
	s30 =	sshll.u32 s0, $0x1  }
0x5: {  	s14 =	simm.s32 $0x80;
	s15 =	simm.s32 $0x400;
	s7 =	sor.u32 s5, s30  }
0x6: {  	s16 =	simm.s32 $0x1100;
	s1 =	rddreg [dreg:$0x2];
	s4 =	smul.u32 $0x2A0, s7  }
0x7: {  	s17 =	simm.s32 $0x0;
	[smem:$0x7FF] =	sst s3;
	s9 =	sshll.u32 s0, $0x8  }
0x8: {  	_ =	strace $0x80000047;
	s9 =	sand.u32 $0xC00, s9;
	s4 =	smin.u32 s4, $0x5000  }
0x9: {  	s5 =	ssub.s32 $0x2, s5;
	s7 =	sshll.u32 s7, $0x4;
	s4 =	sshrl.u32 s4, $0x3  }
0xa: {  	s31 =	sshrl.u32 s5, $0x1;
	s7 =	sand.u32 $0x70, s7;
	s8 =	sadd.s32 s4, s6  }
0xb: {  	s4 =	sadd.s32 $0x2600, s6;
	s6 =	sadd.s32 s9, s6;
	s9 =	ssub.s32 s5, s31  }
0xc: {  	v0 =	vlaneseq.u32;
	s5 =	sadd.s32 $0x1A00, s8;
	s7 =	sadd.s32 s7, s6;
	s6 =	sadd.s32 $0xE00, s8  }
0xd: {  	v0 =	vmul.u32 $0x10, v0;
	s8 =	smax.u32 s9, $0x1;
	s9 =	simm.s32 $0x1;
	s7 =	sadd.s32 $0x2800, s7  }
.LBB2_1:
0xe: {  	[tilespmem:s3], [sflag:$0x1] =	stream.linear.gather [hbm4b:s5+s3], $0x2A0, $0x38;
	[tilespmem:$0x1600] =	vst v63  }
0xf: {  	_ =	swait.ge [sflag:s9], $0x2A0  }
0x10: {  	[sflag:s9] =	ssyncset.done $0x0  }
0x11: {  	[sflag:s9] =	ssyncadd.s32 $0xFFFFFD60  }
0x12: {  	[tilespmem:s10], [sflag:$0x1] =	stream.linear.gather [hbm4b:s6+s3], $0x2A0, $0x38;
	[tilespmem:$0x1600] =	vst v63  }
0x13: {  	_ =	swait.ge [sflag:s9], $0x2A0  }
0x14: {  	[sflag:s9] =	ssyncset.done $0x0  }
0x15: {  	[sflag:s9] =	ssyncadd.s32 $0xFFFFFD60  }
0x16: {  	[tilespmem:s11], [sflag:$0x1] =	stream.linear.gather [hbm4b:s4+s3], $0x400, $0x38;
	[tilespmem:$0x1600] =	vst v63  }
0x17: {  	_ =	swait.ge [sflag:s9], $0x400  }
0x18: {  	[sflag:s9] =	ssyncset.done $0x0  }
0x19: {  	[sflag:s9] =	ssyncadd.s32 $0xFFFFFC00  }
0x1a: {  	[tilespmem:s12], [sflag:$0x1] =	stream.linear.gather [hbm4b:s2+s3], $0x400, $0x38;
	[tilespmem:$0x1600] =	vst v63  }
0x1b: {  	_ =	swait.ge [sflag:s9], $0x400  }
0x1c: {  	[sflag:s9] =	ssyncset.done $0x0  }
0x1d: {  	s20 =	simm.s32 $0x310;
	[sflag:s9] =	ssyncadd.s32 $0xFFFFFC00  }
0x1e: {  	s19 =	simm.s32 $0x10;
	v1 =	vld [tilespmem:s20+$0xFFFFFFF0]  }
0x1f: {  	v2 =	vld [tilespmem:s19+$0xFFFFFFF0];
	_ =	sdelay $0x4  }
0x20: {  	v3 =	vmul.f32 v2, v2;
	v4 =	vmul.f32 v1, v1;
	_ =	sdelay $0x1  }
0x21: {  	v3 =	vadd.f32 v4, v3  }
0x22: {  	s21 =	simm.s32 $0x610;
	v2 =	vmul.f32 $-2.000000000e+00, v2  }
0x23: {  	v1 =	vmul.f32 $-2.000000000e+00, v1;
	[tilespmem:s21+$0xFFFFFFF0] =	vst v3  }
0x24: {  	[tilespmem:s19+$0xFFFFFFF0] =	vst v2  }
0x25: {  	[tilespmem:s20+$0xFFFFFFF0] =	vst v1;
	v1 =	vld [tilespmem:s20+$0x0]  }
0x26: {  	v2 =	vld [tilespmem:s19+$0x0];
	_ =	sdelay $0x4  }
0x27: {  	v63 =	vmul.f32 v1, v1;
	v3 =	vmul.f32 v2, v2;
	_ =	sdelay $0x1  }
0x28: {  	v3 =	vadd.f32 v63, v3  }
0x29: {  	v2 =	vmul.f32 $-2.000000000e+00, v2  }
0x2a: {  	v1 =	vmul.f32 $-2.000000000e+00, v1;
	[tilespmem:s21+$0x0] =	vst v3  }
0x2b: {  	s22 =	simm.s32 $0x0;
	s23 =	simm.s32 $0x330;
	[tilespmem:s19+$0x0] =	vst v2  }
.LBB2_2:
0x2c: {  	v2 =	vld [tilespmem:s23+$0xFFFFFFF0];
	s22 =	sadd.s32 $0x2, s22;
	[tilespmem:s20+$0x0] =	vst v1;
	s21 =	sadd.s32 $0x20, s21;
	s19 =	sadd.s32 $0x20, s19  }
0x2d: {  	s20 =	smov.u32 s23;
	v1 =	vld [tilespmem:s19+$0xFFFFFFF0];
	p0 =	slt.u32 s22, $0x28;
	_ =	sdelay $0x4  }
0x2e: {  	v4 =	vmul.f32 v2, v2;
	v3 =	vmul.f32 v1, v1;
	_ =	sdelay $0x1  }
0x2f: {  	v3 =	vadd.f32 v4, v3  }
0x30: {  	v1 =	vmul.f32 $-2.000000000e+00, v1  }
0x31: {  	v2 =	vmul.f32 $-2.000000000e+00, v2;
	[tilespmem:s21+$0xFFFFFFF0] =	vst v3  }
0x32: {  	[tilespmem:s19+$0xFFFFFFF0] =	vst v1  }
0x33: {  	[tilespmem:s23+$0xFFFFFFF0] =	vst v2;
	v1 =	vld [tilespmem:s23+$0x0]  }
0x34: {  	v2 =	vld [tilespmem:s19+$0x0];
	_ =	sdelay $0x4  }
0x35: {  	v4 =	vmul.f32 v1, v1;
	v3 =	vmul.f32 v2, v2  }
.Ltmp0:
0x36: {  	(pc) =	sbr.rel @p0 .LBB2_2-.Ltmp0, $4  }
0x37: {  	v3 =	vadd.f32 v4, v3  }
0x38: {  	v2 =	vmul.f32 $-2.000000000e+00, v2  }
0x39: {  	v1 =	vmul.f32 $-2.000000000e+00, v1;
	[tilespmem:s21+$0x0] =	vst v3  }
0x3a: {  	s18 =	simm.s32 $0x0;
	s23 =	sadd.s32 $0x20, s23;
	[tilespmem:s19+$0x0] =	vst v2  }
0x3b: {  	[tilespmem:s20+$0x0] =	vst v1  }
.LBB2_4:
0x3c: {  	s19 =	sshll.u32 s18, $0x4  }
0x3d: {  	v2 =	vld [tilespmem:s19+$0x900]  }
0x3e: {  	v1 =	vld [tilespmem:s19+$0xD00];
	_ =	sdelay $0x4  }
0x3f: {  	v3 =	vbroadcast v2, $0x0;
	v4 =	vbroadcast v1, $0x0  }
0x40: {  	v5 =	vbroadcast v2, $0x1;
	v6 =	vbroadcast v1, $0x1  }
0x41: {  	s21 =	simm.s32 $0x10;
	v7 =	vbroadcast v2, $0x2;
	v8 =	vbroadcast v1, $0x2  }
0x42: {  	s22 =	simm.s32 $0x310;
	v21 =	vld [tilespmem:s21+$0xFFFFFFF0];
	v9 =	vbroadcast v2, $0x3;
	v10 =	vbroadcast v1, $0x3  }
0x43: {  	v25 =	vld [tilespmem:s22+$0x0];
	v11 =	vbroadcast v2, $0x4;
	v12 =	vbroadcast v1, $0x4  }
0x44: {  	v13 =	vbroadcast v2, $0x5;
	v14 =	vbroadcast v1, $0x5  }
0x45: {  	v29 =	vld [tilespmem:s22+$0xFFFFFFF0];
	v15 =	vbroadcast v2, $0x6;
	v16 =	vbroadcast v2, $0x7  }
0x46: {  	v17 =	vbroadcast v1, $0x6;
	v18 =	vbroadcast v1, $0x7  }
0x47: {  	v22 =	vmul.f32 v21, v3;
	v24 =	vmul.f32 v21, v16  }
0x48: {  	v39 =	vld [tilespmem:s21+$0x0];
	v26 =	vmul.f32 v21, v7;
	v19 =	vmul.f32 v25, v17  }
0x49: {  	v23 =	vmul.f32 v21, v11;
	v38 =	vmul.f32 v25, v4  }
0x4a: {  	v40 =	vmul.f32 v29, v6;
	v27 =	vmul.f32 v21, v15  }
0x4b: {  	s20 =	simm.s32 $0x610;
	v41 =	vmul.f32 v29, v18;
	v42 =	vmul.f32 v25, v6  }
0x4c: {  	v30 =	vld [tilespmem:s20+$0xFFFFFFF0];
	v32 =	vmul.f32 v29, v12;
	v36 =	vmul.f32 v25, v14  }
0x4d: {  	v33 =	vmul.f32 v29, v8;
	v37 =	vmul.f32 v39, v15  }
0x4e: {  	v44 =	vmul.f32 v21, v5;
	v61 =	vmul.f32 v39, v11  }
0x4f: {  	v45 =	vmul.f32 v39, v3;
	v46 =	vmul.f32 v39, v13  }
0x50: {  	v20 =	vimm.f32 $3.000000010e+38;
	v48 =	vmul.f32 v39, v5;
	v49 =	vmul.f32 v29, v14  }
0x51: {  	v50 =	vmul.f32 v29, v17;
	v51 =	vmul.f32 v29, v10;
	v31 =	vadd.f32 v30, v23  }
0x52: {  	v62 =	vmul.f32 v39, v16;
	v34 =	vadd.f32 v30, v27;
	v28 =	vadd.f32 v30, v22  }
0x53: {  	v27 =	vmul.f32 v21, v9;
	v23 =	vld [tilespmem:s20+$0x0];
	v35 =	vadd.f32 v30, v26;
	v21 =	vmul.f32 v21, v13  }
0x54: {  	v22 =	vmul.f32 v25, v12;
	v43 =	vadd.f32 v30, v24;
	v31 =	vadd.f32 v31, v32  }
0x55: {  	v24 =	vmul.f32 v25, v8;
	v33 =	vadd.f32 v35, v33;
	v21 =	vadd.f32 v30, v21  }
0x56: {  	v26 =	vmul.f32 v25, v18;
	v47 =	vadd.f32 v30, v27;
	v34 =	vadd.f32 v34, v50  }
0x57: {  	v35 =	vmul.f32 v39, v9;
	v30 =	vadd.f32 v30, v44;
	v21 =	vadd.f32 v21, v49  }
0x58: {  	v27 =	vmin.f32 v20, v33;
	v32 =	vadd.f32 v23, v61;
	v46 =	vadd.f32 v23, v46  }
0x59: {  	v31 =	vmin.f32 v20, v31;
	v33 =	vadd.f32 v23, v37;
	v45 =	vadd.f32 v23, v45  }
0x5a: {  	v37 =	vmul.f32 v29, v4;
	v63 =	vadd.f32 v23, v48;
	v29 =	vadd.f32 v46, v36  }
0x5b: {  	v21 =	vmin.f32 v20, v21;
	v36 =	vadd.f32 v47, v51;
	v38 =	vadd.f32 v45, v38  }
0x5c: {  	v21 =	vmin.f32 v21, v29;
	v29 =	vadd.f32 v30, v40;
	v30 =	vmul.f32 v39, v7  }
0x5d: {  	v39 =	vadd.f32 v43, v41;
	v43 =	vadd.f32 v63, v42;
	v42 =	vmul.f32 v25, v10  }
0x5e: {  	v41 =	vadd.f32 v23, v62;
	v25 =	vimm.f32 $3.000000010e+38;
	v44 =	vmin.f32 v20, v29  }
0x5f: {  	s23 =	simm.s32 $0x30;
	s21 =	simm.s32 $0x0;
	s22 =	simm.s32 $0x330;
	v40 =	vadd.f32 v23, v30;
	v29 =	vimm.f32 $3.000000010e+38;
	v30 =	vimm.f32 $3.000000010e+38  }
.LBB2_5:
0x60: {  	v45 =	vld [tilespmem:s23+$0xFFFFFFF0];
	s21 =	sadd.s32 $0x2, s21;
	v28 =	vadd.f32 v28, v37;
	v44 =	vmin.f32 v44, v43;
	v23 =	vadd.f32 v23, v35;
	s20 =	sadd.s32 $0x20, s20  }
0x61: {  	v20 =	vmin.f32 v20, v36;
	v29 =	vmin.f32 v29, v39;
	v19 =	vadd.f32 v33, v19;
	v46 =	vld [tilespmem:s22+$0x0];
	p0 =	slt.u32 s21, $0x28  }
0x62: {  	v26 =	vadd.f32 v41, v26;
	v39 =	vld [tilespmem:s23+$0x0];
	v28 =	vmin.f32 v30, v28;
	v23 =	vadd.f32 v23, v42  }
0x63: {  	v25 =	vmin.f32 v25, v34;
	v22 =	vadd.f32 v32, v22;
	v36 =	vld [tilespmem:s22+$0xFFFFFFF0];
	v30 =	vmin.f32 v28, v38  }
0x64: {  	v25 =	vmin.f32 v25, v19;
	v29 =	vmin.f32 v29, v26;
	v38 =	vld [tilespmem:s20+$0xFFFFFFF0];
	v20 =	vmin.f32 v20, v23  }
0x65: {  	v24 =	vadd.f32 v40, v24;
	v26 =	vmul.f32 v45, v3;
	v32 =	vmul.f32 v45, v16  }
0x66: {  	v31 =	vmin.f32 v31, v22;
	v33 =	vmul.f32 v45, v7;
	v23 =	vld [tilespmem:s20+$0x0];
	v19 =	vmul.f32 v46, v17  }
0x67: {  	v27 =	vmin.f32 v27, v24;
	v22 =	vmul.f32 v45, v11;
	v40 =	vmul.f32 v46, v4  }
0x68: {  	v24 =	vmul.f32 v45, v15;
	v41 =	vmul.f32 v36, v6  }
0x69: {  	v43 =	vmul.f32 v46, v6;
	v42 =	vmul.f32 v36, v18;
	v34 =	vadd.f32 v38, v22  }
0x6a: {  	v48 =	vmul.f32 v46, v14;
	v35 =	vmul.f32 v36, v12;
	v47 =	vadd.f32 v38, v24  }
0x6b: {  	v37 =	vmul.f32 v45, v9;
	v28 =	vadd.f32 v38, v26;
	v22 =	vmul.f32 v46, v12  }
0x6c: {  	v51 =	vmul.f32 v39, v15;
	v49 =	vmul.f32 v36, v8;
	v50 =	vadd.f32 v38, v32  }
0x6d: {  	v52 =	vmul.f32 v45, v5;
	v32 =	vadd.f32 v38, v33;
	v24 =	vmul.f32 v46, v8  }
0x6e: {  	v33 =	vmul.f32 v39, v11;
	v26 =	vmul.f32 v46, v18;
	v34 =	vadd.f32 v34, v35  }
0x6f: {  	v53 =	vmul.f32 v39, v13;
	v32 =	vadd.f32 v32, v49;
	v49 =	vmul.f32 v39, v3  }
0x70: {  	v54 =	vadd.f32 v38, v37;
	v35 =	vmul.f32 v45, v13;
	v45 =	vmul.f32 v39, v5  }
0x71: {  	v37 =	vmul.f32 v36, v14;
	v27 =	vmin.f32 v27, v32;
	v32 =	vadd.f32 v23, v33  }
0x72: {  	v55 =	vadd.f32 v38, v35;
	v35 =	vmul.f32 v39, v9;
	v33 =	vadd.f32 v23, v51  }
0x73: {  	v31 =	vmin.f32 v31, v34;
	v34 =	vmul.f32 v36, v17;
	v51 =	vadd.f32 v23, v53  }
0x74: {  	v53 =	vmul.f32 v36, v10;
	v49 =	vadd.f32 v23, v49;
	v55 =	vadd.f32 v55, v37  }
0x75: {  	v37 =	vmul.f32 v36, v4;
	v34 =	vadd.f32 v47, v34;
	v47 =	vadd.f32 v51, v48  }
.Ltmp1:
0x76: {  	v38 =	vadd.f32 v38, v52;
	v48 =	vmul.f32 v39, v16;
	v21 =	vmin.f32 v21, v55;
	(pc) =	sbr.rel @p0 .LBB2_5-.Ltmp1, $4  }
0x77: {  	v45 =	vadd.f32 v23, v45;
	v36 =	vadd.f32 v54, v53;
	v21 =	vmin.f32 v21, v47  }
0x78: {  	v41 =	vadd.f32 v38, v41;
	v38 =	vadd.f32 v49, v40;
	v40 =	vmul.f32 v39, v7  }
0x79: {  	v39 =	vadd.f32 v50, v42;
	v43 =	vadd.f32 v45, v43;
	v42 =	vmul.f32 v46, v10  }
0x7a: {  	s23 =	sadd.s32 $0x20, s23;
	s22 =	sadd.s32 $0x20, s22;
	v44 =	vmin.f32 v44, v41;
	v40 =	vadd.f32 v23, v40;
	v41 =	vadd.f32 v23, v48  }
0x7b: {  	v3 =	vadd.f32 v28, v37  }
0x7c: {  	v4 =	vadd.f32 v23, v35  }
0x7d: {  	v6 =	vmin.f32 v44, v43;
	[tilespmem:$0x1550] =	vst v21;
	v5 =	vadd.f32 v40, v24;
	v3 =	vmin.f32 v30, v3  }
0x7e: {  	v7 =	vadd.f32 v32, v22;
	[tilespmem:$0x1510] =	vst v6;
	v3 =	vmin.f32 v3, v38  }
0x7f: {  	v4 =	vadd.f32 v4, v42;
	v5 =	vmin.f32 v27, v5;
	[tilespmem:$0x1500] =	vst v3  }
0x80: {  	v3 =	vmin.f32 v20, v36;
	[tilespmem:$0x1520] =	vst v5;
	v5 =	vmin.f32 v31, v7;
	v7 =	vadd.f32 v41, v26  }
0x81: {  	v6 =	vmin.f32 v29, v39;
	v3 =	vmin.f32 v3, v4;
	v4 =	vadd.f32 v33, v19;
	[tilespmem:$0x1540] =	vst v5  }
0x82: {  	v8 =	vbroadcast v1, $0xA;
	[tilespmem:$0x1530] =	vst v3;
	v3 =	vmin.f32 v25, v34;
	v7 =	vmin.f32 v6, v7  }
0x83: {  	v9 =	vbroadcast v2, $0xB;
	v10 =	vbroadcast v1, $0xB;
	v5 =	vmin.f32 v3, v4;
	[tilespmem:$0x1570] =	vst v7  }
0x84: {  	s21 =	simm.s32 $0x10;
	v11 =	vbroadcast v2, $0xC;
	v12 =	vbroadcast v1, $0xC;
	[tilespmem:$0x1560] =	vst v5  }
0x85: {  	v13 =	vbroadcast v2, $0xD;
	v14 =	vbroadcast v1, $0xD;
	v19 =	vld [tilespmem:s21+$0xFFFFFFF0]  }
0x86: {  	s22 =	simm.s32 $0x310;
	v15 =	vbroadcast v2, $0xE;
	v16 =	vbroadcast v1, $0xE  }
0x87: {  	v6 =	vbroadcast v1, $0x9;
	v3 =	vbroadcast v2, $0x8;
	v23 =	vld [tilespmem:s22+$0x0]  }
0x88: {  	v4 =	vbroadcast v1, $0x8;
	v7 =	vbroadcast v2, $0xA;
	v26 =	vld [tilespmem:s22+$0xFFFFFFF0]  }
0x89: {  	v5 =	vbroadcast v2, $0x9;
	v2 =	vbroadcast v2, $0xF  }
0x8a: {  	v1 =	vbroadcast v1, $0xF;
	v20 =	vmul.f32 v19, v3  }
0x8b: {  	v22 =	vmul.f32 v19, v2;
	v24 =	vmul.f32 v19, v7  }
0x8c: {  	v35 =	vld [tilespmem:s21+$0x0];
	v17 =	vmul.f32 v23, v16;
	v21 =	vmul.f32 v19, v11  }
0x8d: {  	v37 =	vmul.f32 v23, v4;
	v38 =	vmul.f32 v26, v6  }
0x8e: {  	v25 =	vmul.f32 v19, v15;
	v52 =	vmul.f32 v26, v1  }
0x8f: {  	v53 =	vmul.f32 v23, v6;
	v30 =	vmul.f32 v26, v12  }
0x90: {  	s20 =	simm.s32 $0x610;
	v55 =	vmul.f32 v23, v14;
	v31 =	vmul.f32 v26, v8  }
0x91: {  	v28 =	vld [tilespmem:s20+$0xFFFFFFF0];
	v57 =	vmul.f32 v35, v15;
	v58 =	vmul.f32 v19, v5  }
0x92: {  	v60 =	vmul.f32 v35, v3;
	v61 =	vmul.f32 v35, v13  }
0x93: {  	v46 =	vmul.f32 v35, v5;
	v47 =	vmul.f32 v26, v14  }
0x94: {  	v33 =	vmul.f32 v35, v9;
	v48 =	vmul.f32 v26, v16  }
0x95: {  	v18 =	vimm.f32 $3.000000010e+38;
	v49 =	vmul.f32 v26, v10;
	v36 =	vmul.f32 v26, v4  }
0x96: {  	v62 =	vmul.f32 v35, v2;
	v40 =	vmul.f32 v23, v10;
	v29 =	vadd.f32 v28, v21  }
0x97: {  	v54 =	vadd.f32 v28, v25;
	v27 =	vadd.f32 v28, v20;
	v25 =	vmul.f32 v19, v9;
	v21 =	vld [tilespmem:s20+$0x0]  }
0x98: {  	v20 =	vmul.f32 v23, v12;
	v56 =	vadd.f32 v28, v22;
	v59 =	vadd.f32 v28, v24  }
0x99: {  	v22 =	vmul.f32 v23, v8;
	v19 =	vmul.f32 v19, v13;
	v29 =	vadd.f32 v29, v30  }
0x9a: {  	v24 =	vmul.f32 v23, v1;
	v31 =	vadd.f32 v59, v31;
	v45 =	vadd.f32 v28, v25  }
0x9b: {  	v23 =	vimm.f32 $3.000000010e+38;
	v19 =	vadd.f32 v28, v19;
	v32 =	vadd.f32 v54, v48  }
0x9c: {  	v30 =	vmul.f32 v35, v11;
	v28 =	vadd.f32 v28, v58;
	v44 =	vadd.f32 v21, v61  }
0x9d: {  	v25 =	vmin.f32 v18, v31;
	v19 =	vadd.f32 v19, v47;
	v34 =	vadd.f32 v45, v49  }
0x9e: {  	v29 =	vmin.f32 v18, v29;
	v30 =	vadd.f32 v21, v30;
	v26 =	vadd.f32 v44, v55  }
0x9f: {  	v31 =	vadd.f32 v21, v57;
	v43 =	vadd.f32 v21, v60;
	v19 =	vmin.f32 v18, v19  }
0xa0: {  	v63 =	vadd.f32 v21, v46;
	v19 =	vmin.f32 v19, v26;
	v26 =	vadd.f32 v28, v38  }
0xa1: {  	v39 =	vadd.f32 v21, v62;
	v37 =	vadd.f32 v43, v37;
	v28 =	vmul.f32 v35, v7  }
0xa2: {  	v41 =	vadd.f32 v63, v53;
	v35 =	vadd.f32 v56, v52;
	v42 =	vmin.f32 v18, v26  }
0xa3: {  	s23 =	simm.s32 $0x30;
	s21 =	simm.s32 $0x0;
	s22 =	simm.s32 $0x330;
	v38 =	vadd.f32 v21, v28;
	v26 =	vimm.f32 $3.000000010e+38;
	v28 =	vimm.f32 $3.000000010e+38  }
.LBB2_7:
0xa4: {  	v43 =	vld [tilespmem:s23+$0xFFFFFFF0];
	s21 =	sadd.s32 $0x2, s21;
	v27 =	vadd.f32 v27, v36;
	v42 =	vmin.f32 v42, v41;
	v21 =	vadd.f32 v21, v33;
	s20 =	sadd.s32 $0x20, s20  }
0xa5: {  	v18 =	vmin.f32 v18, v34;
	v26 =	vmin.f32 v26, v35;
	v17 =	vadd.f32 v31, v17;
	v44 =	vld [tilespmem:s22+$0x0];
	p0 =	slt.u32 s21, $0x28  }
0xa6: {  	v24 =	vadd.f32 v39, v24;
	v35 =	vld [tilespmem:s23+$0x0];
	v27 =	vmin.f32 v28, v27;
	v21 =	vadd.f32 v21, v40  }
0xa7: {  	v23 =	vmin.f32 v23, v32;
	v20 =	vadd.f32 v30, v20;
	v34 =	vld [tilespmem:s22+$0xFFFFFFF0];
	v28 =	vmin.f32 v27, v37  }
0xa8: {  	v23 =	vmin.f32 v23, v17;
	v26 =	vmin.f32 v26, v24;
	v37 =	vld [tilespmem:s20+$0xFFFFFFF0];
	v18 =	vmin.f32 v18, v21  }
0xa9: {  	v22 =	vadd.f32 v38, v22;
	v24 =	vmul.f32 v43, v3;
	v30 =	vmul.f32 v43, v2  }
0xaa: {  	v29 =	vmin.f32 v29, v20;
	v31 =	vmul.f32 v43, v7;
	v21 =	vld [tilespmem:s20+$0x0];
	v17 =	vmul.f32 v44, v16  }
0xab: {  	v25 =	vmin.f32 v25, v22;
	v20 =	vmul.f32 v43, v11;
	v38 =	vmul.f32 v44, v4  }
0xac: {  	v22 =	vmul.f32 v43, v15;
	v39 =	vmul.f32 v34, v6  }
0xad: {  	v41 =	vmul.f32 v44, v6;
	v40 =	vmul.f32 v34, v1;
	v32 =	vadd.f32 v37, v20  }
0xae: {  	v46 =	vmul.f32 v44, v14;
	v33 =	vmul.f32 v34, v12;
	v45 =	vadd.f32 v37, v22  }
0xaf: {  	v36 =	vmul.f32 v43, v9;
	v27 =	vadd.f32 v37, v24;
	v20 =	vmul.f32 v44, v12  }
0xb0: {  	v49 =	vmul.f32 v35, v15;
	v47 =	vmul.f32 v34, v8;
	v48 =	vadd.f32 v37, v30  }
0xb1: {  	v50 =	vmul.f32 v43, v5;
	v30 =	vadd.f32 v37, v31;
	v22 =	vmul.f32 v44, v8  }
0xb2: {  	v31 =	vmul.f32 v35, v11;
	v24 =	vmul.f32 v44, v1;
	v32 =	vadd.f32 v32, v33  }
0xb3: {  	v51 =	vmul.f32 v35, v13;
	v30 =	vadd.f32 v30, v47;
	v47 =	vmul.f32 v35, v3  }
0xb4: {  	v52 =	vadd.f32 v37, v36;
	v33 =	vmul.f32 v43, v13;
	v43 =	vmul.f32 v35, v5  }
0xb5: {  	v36 =	vmul.f32 v34, v14;
	v25 =	vmin.f32 v25, v30;
	v30 =	vadd.f32 v21, v31  }
0xb6: {  	v53 =	vadd.f32 v37, v33;
	v33 =	vmul.f32 v35, v9;
	v31 =	vadd.f32 v21, v49  }
0xb7: {  	v29 =	vmin.f32 v29, v32;
	v32 =	vmul.f32 v34, v16;
	v49 =	vadd.f32 v21, v51  }
0xb8: {  	v51 =	vmul.f32 v34, v10;
	v47 =	vadd.f32 v21, v47;
	v53 =	vadd.f32 v53, v36  }
0xb9: {  	v36 =	vmul.f32 v34, v4;
	v32 =	vadd.f32 v45, v32;
	v45 =	vadd.f32 v49, v46  }
.Ltmp2:
0xba: {  	v37 =	vadd.f32 v37, v50;
	v46 =	vmul.f32 v35, v2;
	v19 =	vmin.f32 v19, v53;
	(pc) =	sbr.rel @p0 .LBB2_7-.Ltmp2, $4  }
0xbb: {  	v43 =	vadd.f32 v21, v43;
	v34 =	vadd.f32 v52, v51;
	v19 =	vmin.f32 v19, v45  }
0xbc: {  	v39 =	vadd.f32 v37, v39;
	v37 =	vadd.f32 v47, v38;
	v38 =	vmul.f32 v35, v7  }
0xbd: {  	v35 =	vadd.f32 v48, v40;
	v41 =	vadd.f32 v43, v41;
	v40 =	vmul.f32 v44, v10  }
0xbe: {  	s23 =	sadd.s32 $0x20, s23;
	s22 =	sadd.s32 $0x20, s22;
	v42 =	vmin.f32 v42, v39;
	v38 =	vadd.f32 v21, v38;
	v39 =	vadd.f32 v21, v46  }
0xbf: {  	v1 =	vadd.f32 v27, v36;
	_ =	sdelay $0x1  }
0xc0: {  	v2 =	vadd.f32 v21, v33;
	v3 =	vadd.f32 v38, v22;
	v1 =	vmin.f32 v28, v1  }
0xc1: {  	v5 =	vadd.f32 v30, v20;
	[tilespmem:$0x15D0] =	vst v19;
	v1 =	vmin.f32 v1, v37  }
0xc2: {  	v2 =	vadd.f32 v2, v40;
	v3 =	vmin.f32 v25, v3;
	[tilespmem:$0x1580] =	vst v1  }
0xc3: {  	v1 =	vmin.f32 v18, v34;
	[tilespmem:$0x15A0] =	vst v3;
	v3 =	vmin.f32 v29, v5  }
0xc4: {  	v4 =	vmin.f32 v42, v41;
	v1 =	vmin.f32 v1, v2;
	v2 =	vadd.f32 v31, v17;
	[tilespmem:$0x15C0] =	vst v3  }
0xc5: {  	v49 =	vmin.f32 v23, v32;
	v3 =	vor.u32 $0x1, v0;
	[tilespmem:$0x15B0] =	vst v1;
	v1 =	vadd.f32 v39, v24  }
0xc6: {  	v50 =	vmin.f32 v26, v35;
	v51 =	vor.u32 $0x2, v0;
	[tilespmem:$0x1590] =	vst v4;
	v2 =	vmin.f32 v49, v2  }
0xc7: {  	v1 =	vmin.f32 v50, v1;
	[tilespmem:$0x15E0] =	vst v2;
	v2 =	vor.u32 $0x3, v0  }
0xc8: {  	[tilespmem:$0x15F0] =	vst v1;
	v1 =	vor.u32 $0x4, v0  }
0xc9: {  	v6 =	vor.u32 $0x5, v0;
	v52 =	vld.idx.msk [tilespmem:v0+s13+$0x0], $0xffff  }
0xca: {  	v7 =	vor.u32 $0x6, v0;
	v3 =	vld.idx.msk [tilespmem:v3+s13+$0x0], $0xffff  }
0xcb: {  	v8 =	vor.u32 $0x7, v0;
	v4 =	vld.idx.msk [tilespmem:v51+s13+$0x0], $0xffff  }
0xcc: {  	v9 =	vor.u32 $0x8, v0;
	v2 =	vld.idx.msk [tilespmem:v2+s13+$0x0], $0xffff  }
0xcd: {  	v10 =	vor.u32 $0x9, v0;
	v1 =	vld.idx.msk [tilespmem:v1+s13+$0x0], $0xffff  }
0xce: {  	v11 =	vor.u32 $0xA, v0;
	v6 =	vld.idx.msk [tilespmem:v6+s13+$0x0], $0xffff  }
0xcf: {  	v54 =	vor.u32 $0xB, v0;
	v53 =	vld.idx.msk [tilespmem:v7+s13+$0x0], $0xffff;
	v3 =	vmin.f32 v52, v3  }
0xd0: {  	v56 =	vor.u32 $0xC, v0;
	v55 =	vld.idx.msk [tilespmem:v8+s13+$0x0], $0xffff;
	v3 =	vmin.f32 v3, v4  }
0xd1: {  	v57 =	vor.u32 $0xD, v0;
	v2 =	vmin.f32 v3, v2;
	v3 =	vld.idx.msk [tilespmem:v9+s13+$0x0], $0xffff  }
0xd2: {  	v58 =	vor.u32 $0xE, v0;
	v1 =	vmin.f32 v2, v1;
	v2 =	vld.idx.msk [tilespmem:v10+s13+$0x0], $0xffff  }
0xd3: {  	v60 =	vor.u32 $0xF, v0;
	v59 =	vld.idx.msk [tilespmem:v11+s13+$0x0], $0xffff;
	v1 =	vmin.f32 v1, v6  }
0xd4: {  	v61 =	vld.idx.msk [tilespmem:v54+s13+$0x0], $0xffff;
	v1 =	vmin.f32 v1, v53  }
0xd5: {  	v62 =	vld.idx.msk [tilespmem:v56+s13+$0x0], $0xffff;
	v1 =	vmin.f32 v1, v55  }
0xd6: {  	v1 =	vmin.f32 v1, v3;
	v3 =	vld.idx.msk [tilespmem:v57+s13+$0x0], $0xffff  }
0xd7: {  	v1 =	vmin.f32 v1, v2;
	v2 =	vld.idx.msk [tilespmem:v58+s13+$0x0], $0xffff  }
0xd8: {  	s18 =	sadd.s32 $0x1, s18;
	v63 =	vld.idx.msk [tilespmem:v60+s13+$0x0], $0xffff;
	v1 =	vmin.f32 v1, v59  }
0xd9: {  	p0 =	sne.s32 s18, $0x40;
	v1 =	vmin.f32 v1, v61  }
.Ltmp3:
0xda: {  	v1 =	vmin.f32 v1, v62;
	(pc) =	sbr.rel @p0 .LBB2_4-.Ltmp3, $4  }
0xdb: {  	v1 =	vmin.f32 v1, v3  }
0xdc: {  	v1 =	vmin.f32 v1, v2  }
0xdd: {  	v1 =	vmin.f32 v1, v63  }
0xde: {  	[tilespmem:s19+$0x1100] =	vst v1  }
0xdf: {  	s17 =	sadd.s32 $0x1, s17  }
0xe0: {  	p0 =	sne.s32 s17, s8  }
.Ltmp4:
0xe1: {  	_ = 	snop;
	(pc) =	sbr.rel @p0 .LBB2_1-.Ltmp4, $4  }
0xe2: {  	[hbm4b:s7+s14] =	stream.strided.scatter [tilespmem:s16], [sflag:$0x1], $0x400, s15, s14, $0x38;
	[tilespmem:$0x1600] =	vst v63  }
0xe3: {  	_ =	swait.ge [sflag:s9], $0x400  }
0xe4: {  	[sflag:s9] =	ssyncset.done $0x0  }
0xe5: {  	[sflag:s9] =	ssyncadd.s32 $0xFFFFFC00  }
0xe6: {  	_ =	sfence.sel $0x180000  }
0xe7: {  	[bflag:$0x0] =	sbarrier.arrive $0xFFFF  }
0xe8: {  	p0 =	sne.s32 s0, $0x0;
	_ =	strace $0x90000047  }
0xe9: {  	s0 =	sadd.s32 @!p0 $0x100000, s1;
	[bflag:$0x2] =	sbarrier.arrive $0xFFFF  }
0xea: {  	[sflag:s0] =	ssyncadd.tile.s32 @!p0 $0x1;
	_ =	shalt  }
.Lfunc_end2:
_tile_overlayer_lowered:
.L_overlay_start_2:
0xeb: {  	(tag) =	ssettag $0x2  }
0xec: {  	s0 =	rddreg [dreg:$0x0];
	s2 =	stileid.u32  }
0xed: {  	s1 =	rddreg [dreg:$0x1];
	p0 =	sne.s32 s2, $0x0  }
0xee: {  	s3 =	rddreg [dreg:$0x2];
	[bflag:$0x3] =	sbarrier.arrive $0xFFFF;
	s2 =	simm.s32 @!p0 $0x1C01  }
0xef: {  	[timem:s3], [sflag:s2] =	dma.local @!p0 [hbm:s0], s1  }
0xf0: {  	s0 =	simm.s32 @!p0 $0x1  }
0xf1: {  	_ =	swait.ge @!p0 [sflag:s0], s1  }
0xf2: {  	s1 =	ssub.s32 @!p0 $0x0, s1;
	[sflag:s0] =	ssyncset.done @!p0 $0x0  }
0xf3: {  	[sflag:s0] =	ssyncadd.s32 @!p0 s1  }
0xf4: {  	[bflag:$0x3] =	sbarrier.arrive $0xFFFF  }
0xf5: {  	_ =	shalt  }

</sc_bundles>
